<compile_context>
chip_gen: v7x
topology: tpu7x:2x2x1
jax: 0.10.2.dev20260603
libtpu: 0.0.44.dev20260713+nightly
codegen_flags: <defaults>
</compile_context>

<pallas_src>
import functools

import jax
import jax.numpy as jnp
from jax import lax
from jax.experimental import pallas as pl
from jax.experimental.pallas import tpu as pltpu
from jax.experimental.pallas import tpu_sc as plsc

N = 10000
E = 320000
D = 128
HD = D // 2
NC = 2
NS = 16
K = 125
NB = 160
EPT = NB * K
NPAD = 10112
RPT = NPAD // NS
CW = 16


def _sc_aggregate(x2, src3, src3p, dst3, with_counts):
    mesh = plsc.VectorSubcoreMesh(core_axis_name="c", subcore_axis_name="s")

    @functools.partial(
        pl.kernel,
        out_type=[
            jax.ShapeDtypeStruct((NC, NPAD, HD), jnp.float32),
            jax.ShapeDtypeStruct((NPAD, CW), jnp.float32),
        ],
        mesh=mesh,
        compiler_params=pltpu.CompilerParams(use_tc_tiling_on_sc=False),
        scratch_types=[
            pltpu.VMEM((NB, K), jnp.int32),
            pltpu.VMEM((NB, K), jnp.int32),
            [pltpu.VMEM((K, HD), jnp.float32) for _ in range(4)],
            pltpu.VMEM((K, CW), jnp.float32),
            pltpu.VMEM((K, CW), jnp.float32),
            pltpu.VMEM_SHARED((NPAD, HD), jnp.float32),
            pltpu.VMEM_SHARED((NPAD, CW), jnp.float32),
            [pltpu.SemaphoreType.DMA for _ in range(4)],
            [pltpu.SemaphoreType.DMA for _ in range(4)],
            [pltpu.SemaphoreType.DMA for _ in range(2)],
        ],
    )
    def agg_kernel(x_hbm, src_hbm, srcp_hbm, dst_hbm, out_hbm, outc_hbm,
                   srcv, dstv, rows, ones, zcnt, acc_s, cnt_s, gs, ss, cs):
        c = lax.axis_index("c")
        s = lax.axis_index("s")

        def fill_zrow(i, _):
            for j in range(HD // 16):
                rows[0][i, pl.ds(j * 16, 16)] = jnp.zeros((16,),
                                                          jnp.float32)
            return 0
        lax.fori_loop(0, K, fill_zrow, 0)

        def fill_zcnt(i, _):
            zcnt[i, :] = jnp.zeros((16,), jnp.float32)
            if with_counts:
                ones[i, :] = jnp.ones((16,), jnp.float32)
            return 0
        lax.fori_loop(0, K, fill_zcnt, 0)

        base = s * RPT
        nz = RPT // K
        tail = RPT - nz * K
        for z in range(nz):
            pltpu.sync_copy(rows[0], acc_s.at[pl.ds(base + z * K, K)])
        pltpu.sync_copy(rows[0].at[pl.ds(0, tail)],
                        acc_s.at[pl.ds(base + nz * K, tail)])
        if with_counts:
            @pl.when(c == 0)
            def _():
                for z in range(nz):
                    pltpu.sync_copy(zcnt, cnt_s.at[pl.ds(base + z * K, K)])
                pltpu.sync_copy(zcnt.at[pl.ds(0, tail)],
                                cnt_s.at[pl.ds(base + nz * K, tail)])

        @pl.when(c == 0)
        def _():
            pltpu.sync_copy(src_hbm.at[s], srcv)

        @pl.when(c == 1)
        def _():
            pltpu.sync_copy(srcp_hbm.at[s], srcv)

        pltpu.sync_copy(dst_hbm.at[s], dstv)

        plsc.subcore_barrier()

        def g_start(i, b):
            pltpu.async_copy(x_hbm.at[srcv.at[i]], rows[b], gs[b])

        def g_wait(b):
            pltpu.make_async_copy(x_hbm.at[srcv.at[0]], rows[b],
                                  gs[b]).wait()

        def s_start(i, b):
            pltpu.async_copy(rows[b], acc_s.at[dstv.at[i]], ss[b], add=True)

        def s_wait(b):
            pltpu.make_async_copy(rows[b], acc_s.at[dstv.at[0]],
                                  ss[b]).wait()

        def cnt_fire(wait_prev, i, b):
            @pl.when(c == 0)
            def _():
                if wait_prev is True:
                    pltpu.make_async_copy(ones, cnt_s.at[dstv.at[0]],
                                          cs[b]).wait()
                else:
                    @pl.when(wait_prev)
                    def _():
                        pltpu.make_async_copy(ones, cnt_s.at[dstv.at[0]],
                                              cs[b]).wait()
                pltpu.async_copy(ones, cnt_s.at[dstv.at[i]], cs[b],
                                 add=True)

        g_start(0, 0)
        g_start(1, 1)
        g_start(2, 2)

        NSW4 = NB // 4

        def body(j, _):
            for b in range(4):
                i = 4 * j + b
                g_wait(b)
                s_start(i, b)
                pb = (b + 3) % 4
                if b == 0:
                    @pl.when(j > 0)
                    def _():
                        s_wait(pb)
                    g_start(i + 3, pb)
                else:
                    s_wait(pb)

                    @pl.when(j < NSW4 - 1)
                    def _():
                        g_start(i + 3, pb)
                if with_counts:
                    cnt_fire((j > 0) if b < 2 else True, i, b % 2)
            return 0
        lax.fori_loop(0, NSW4, body, 0)

        s_wait(3)
        if with_counts:
            @pl.when(c == 0)
            def _():
                pltpu.make_async_copy(ones, cnt_s.at[dstv.at[0]],
                                      cs[0]).wait()
                pltpu.make_async_copy(ones, cnt_s.at[dstv.at[0]],
                                      cs[1]).wait()

        plsc.subcore_barrier()
        pltpu.sync_copy(acc_s.at[pl.ds(base, RPT)],
                        out_hbm.at[c, pl.ds(base, RPT)])
        if with_counts:
            @pl.when(c == 0)
            def _():
                pltpu.sync_copy(cnt_s.at[pl.ds(base, RPT)],
                                outc_hbm.at[pl.ds(base, RPT)])

    return agg_kernel(x2, src3, src3p, dst3)


def _split_stack(h):
    return jnp.concatenate([h[:, :HD], h[:, HD:]], axis=0)


def _tc_self_path(x, W, b):
    def body(x_ref, W_ref, b_ref, o_ref):
        o_ref[...] = (jnp.dot(x_ref[...], W_ref[...],
                              preferred_element_type=jnp.float32)
                      + b_ref[...])

    return pl.pallas_call(
        body,
        out_shape=jax.ShapeDtypeStruct((N, D), jnp.float32),
    )(x, W, b)


def _tc_layer1(S, C, xr, Wl1, gamma, beta):
    def body(S_ref, C_ref, xr_ref, Wl1_ref, g_ref, b_ref,
             h2_ref, h2s_ref):
        inv = 1.0 / jnp.maximum(C_ref[:N, 0:1], 1.0)
        aggL = S_ref[0, :N, :] * inv
        aggR = S_ref[1, :N, :] * inv
        h = (jnp.dot(aggL, Wl1_ref[:HD, :],
                     preferred_element_type=jnp.float32)
             + jnp.dot(aggR, Wl1_ref[HD:, :],
                       preferred_element_type=jnp.float32)
             + xr_ref[...])
        mu = jnp.mean(h, axis=0, keepdims=True)
        var = jnp.mean((h - mu) * (h - mu), axis=0, keepdims=True)
        hn = (h - mu) / jnp.sqrt(var + 1e-5) * g_ref[...] + b_ref[...]
        h2 = jnp.where(hn >= 0, hn, 0.01 * hn)
        h2_ref[...] = h2
        h2s_ref[0] = h2[:, :HD]
        h2s_ref[1] = h2[:, HD:]

    return pl.pallas_call(
        body,
        out_shape=[
            jax.ShapeDtypeStruct((N, D), jnp.float32),
            jax.ShapeDtypeStruct((2, N, HD), jnp.float32),
        ],
    )(S, C, xr, Wl1, gamma, beta)


def _tc_layer2(S2, C, r2, Wl2):
    def body(S_ref, C_ref, r2_ref, Wl2_ref, out_ref):
        inv = 1.0 / jnp.maximum(C_ref[:N, 0:1], 1.0)
        aggL = S_ref[0, :N, :] * inv
        aggR = S_ref[1, :N, :] * inv
        out_ref[...] = (jnp.dot(aggL, Wl2_ref[:HD, :],
                                preferred_element_type=jnp.float32)
                        + jnp.dot(aggR, Wl2_ref[HD:, :],
                                  preferred_element_type=jnp.float32)
                        + r2_ref[...])

    return pl.pallas_call(
        body,
        out_shape=jax.ShapeDtypeStruct((N, D), jnp.float32),
    )(S2, C, r2, Wl2)


def kernel(x, edge_index, Wl1, bl1, Wr1, gamma, beta, Wl2, bl2, Wr2):
    src3 = edge_index[0].astype(jnp.int32).reshape(NS, NB, K)
    src3p = src3 + N
    dst3 = edge_index[1].astype(jnp.int32).reshape(NS, NB, K)
    bl1r = bl1.reshape(1, D)
    bl2r = bl2.reshape(1, D)
    gr = gamma.reshape(1, D)
    br = beta.reshape(1, D)

    S1, C = _sc_aggregate(_split_stack(x), src3, src3p, dst3,
                          with_counts=True)
    xr = _tc_self_path(x, Wr1, bl1r)
    h2, h2s = _tc_layer1(S1, C, xr, Wl1, gr, br)
    S2, _ = _sc_aggregate(h2s.reshape(2 * N, HD), src3, src3p, dst3,
                          with_counts=False)
    r2 = _tc_self_path(h2, Wr2, bl2r)
    return _tc_layer2(S2, C, r2, Wl2)

# --- scband reference (transcript-rebuilt; emitter-appended) ---
"""Pipeline reference for scband-co-mgl-5454608466352 (READ-ONLY COPY).

The authoritative reference and input builder live on the scoring server;
editing this copy changes nothing except your own understanding.
"""

import jax, jax.numpy as jnp
import numpy as np

N_NODES = 10000
N_EDGES = 320000
D_FEAT = 128
HIDDEN = 128


def setup_inputs(seed: int = 0) -> dict:
    key = jax.random.key(seed)
    ks = jax.random.split(key, 12)
    x = jax.random.normal(ks[0], (N_NODES, D_FEAT), dtype=jnp.float32)
    edge_index = jax.random.randint(ks[1], (2, N_EDGES), 0, N_NODES, dtype=jnp.int64 if jax.config.jax_enable_x64 else jnp.int32)
    s = 1.0 / np.sqrt(D_FEAT)
    # SAGEConv layer 1: lin_l (applied to aggregated neighbors, with bias), lin_r (applied to self)
    Wl1 = jax.random.uniform(ks[2], (D_FEAT, HIDDEN), minval=-s, maxval=s, dtype=jnp.float32)
    bl1 = jnp.zeros((HIDDEN,), dtype=jnp.float32)
    Wr1 = jax.random.uniform(ks[3], (D_FEAT, HIDDEN), minval=-s, maxval=s, dtype=jnp.float32)
    # BatchNorm params
    gamma = jnp.ones((HIDDEN,), dtype=jnp.float32)
    beta = jnp.zeros((HIDDEN,), dtype=jnp.float32)
    s2 = 1.0 / np.sqrt(HIDDEN)
    # SAGEConv layer 2
    Wl2 = jax.random.uniform(ks[4], (HIDDEN, HIDDEN), minval=-s2, maxval=s2, dtype=jnp.float32)
    bl2 = jnp.zeros((HIDDEN,), dtype=jnp.float32)
    Wr2 = jax.random.uniform(ks[5], (HIDDEN, HIDDEN), minval=-s2, maxval=s2, dtype=jnp.float32)
    return {"x": x, "edge_index": edge_index, "Wl1": Wl1, "bl1": bl1, "Wr1": Wr1,
            "gamma": gamma, "beta": beta, "Wl2": Wl2, "bl2": bl2, "Wr2": Wr2}


def _sage_conv(x, src, dst, Wl, bl, Wr, n_nodes):
    # PyG SAGEConv with mean aggregation: out = lin_l(mean_{j in N(i)} x_j) + lin_r(x_i)
    msgs = jnp.take(x, src, axis=0)
    summed = jax.ops.segment_sum(msgs, dst, num_segments=n_nodes)
    cnt = jax.ops.segment_sum(jnp.ones((src.shape[0],), dtype=x.dtype), dst, num_segments=n_nodes)
    mean = summed / jnp.clip(cnt, 1.0)[:, None]
    return mean @ Wl + bl + x @ Wr


def _batch_norm(h, gamma, beta, eps=1e-5):
    mu = jnp.mean(h, axis=0)
    var = jnp.var(h, axis=0)
    return (h - mu) / jnp.sqrt(var + eps) * gamma + beta


def reference(x, edge_index, Wl1, bl1, Wr1, gamma, beta, Wl2, bl2, Wr2):
    n_nodes = x.shape[0]
    src = edge_index[0]
    dst = edge_index[1]
    # GNNEncoder layer 1: SAGEConv -> BatchNorm -> leaky_relu -> dropout(p=0)
    h = _sage_conv(x, src, dst, Wl1, bl1, Wr1, n_nodes)
    h = _batch_norm(h, gamma, beta)
    h = jax.nn.leaky_relu(h, negative_slope=0.01)
    # GNNEncoder last layer: SAGEConv only
    out = _sage_conv(h, src, dst, Wl2, bl2, Wr2, n_nodes)
    return out

if __name__ == "__main__":
    import jax
    _d = setup_inputs()
    print(jax.jit(kernel)(*tuple(_d.values())))

</pallas_src>

<mosaic_0001>
#map = affine_map<(d0, d1) -> (0, 0)>
#map1 = affine_map<(d0, d1) -> (0, 0, 0)>
module attributes {stable_mosaic.version = 14 : i64} {
  func.func @agg_kernel(%arg0: i32, %arg1: i32, %arg2: memref<20000x64xf32, #tpu.memory_space<hbm>>, %arg3: memref<16x160x125xi32, #tpu.memory_space<hbm>>, %arg4: memref<16x160x125xi32, #tpu.memory_space<hbm>>, %arg5: memref<16x160x125xi32, #tpu.memory_space<hbm>>, %arg6: memref<2x10112x64xf32, #tpu.memory_space<hbm>>, %arg7: memref<10112x16xf32, #tpu.memory_space<hbm>>, %arg8: memref<160x125xi32, #tpu.memory_space<vmem>>, %arg9: memref<160x125xi32, #tpu.memory_space<vmem>>, %arg10: memref<125x64xf32, #tpu.memory_space<vmem>>, %arg11: memref<125x64xf32, #tpu.memory_space<vmem>>, %arg12: memref<125x64xf32, #tpu.memory_space<vmem>>, %arg13: memref<125x64xf32, #tpu.memory_space<vmem>>, %arg14: memref<125x16xf32, #tpu.memory_space<vmem>>, %arg15: memref<125x16xf32, #tpu.memory_space<vmem>>, %arg16: memref<10112x64xf32, #tpu.memory_space<vmem_shared>>, %arg17: memref<10112x16xf32, #tpu.memory_space<vmem_shared>>, %arg18: memref<!tpu.dma_semaphore, #tpu.memory_space<semaphore_mem>>, %arg19: memref<!tpu.dma_semaphore, #tpu.memory_space<semaphore_mem>>, %arg20: memref<!tpu.dma_semaphore, #tpu.memory_space<semaphore_mem>>, %arg21: memref<!tpu.dma_semaphore, #tpu.memory_space<semaphore_mem>>, %arg22: memref<!tpu.dma_semaphore, #tpu.memory_space<semaphore_mem>>, %arg23: memref<!tpu.dma_semaphore, #tpu.memory_space<semaphore_mem>>, %arg24: memref<!tpu.dma_semaphore, #tpu.memory_space<semaphore_mem>>, %arg25: memref<!tpu.dma_semaphore, #tpu.memory_space<semaphore_mem>>, %arg26: memref<!tpu.dma_semaphore, #tpu.memory_space<semaphore_mem>>, %arg27: memref<!tpu.dma_semaphore, #tpu.memory_space<semaphore_mem>>) attributes {dimension_semantics = [#tpu.dimension_semantics<core_parallel>, #tpu.dimension_semantics<subcore_parallel>], iteration_bounds = array<i64: 2, 16>, scalar_prefetch = 0 : i64, scratch_operands = 20 : i64, tpu.core_type = #tpu.core_type<sc_vector_subcore>, window_params = [{transform_indices = #map}, {transform_indices = #map1}, {transform_indices = #map1}, {transform_indices = #map1}, {transform_indices = #map1}, {transform_indices = #map}]} {
    %scan3A = arith.constant 0 : i32
    %scan3A_0 = arith.constant 0 : i32
    %scan3A_1 = arith.constant 125 : i32
    %scan3A_2 = arith.addi %scan3A_0, %scan3A_1 : i32
    %scan3A_3 = arith.constant 1 : i32
    %scan3A_4 = scf.for %scan3A_81 = %scan3A_0 to %scan3A_2 step %scan3A_3 iter_args(%scan3A_82 = %scan3A) -> (i32)  : i32 {
      %broadcast_in_dim3A = arith.constant 0.000000e+00 : f32
      %broadcast_in_dim3A_83 = vector.broadcast %broadcast_in_dim3A : f32 to vector<16xf32>
      %swap3A = arith.index_cast %scan3A_81 : i32 to index
      %swap3A_84 = arith.constant 0 : index
      %swap3A_85 = tpu.vector_load %arg10[%swap3A, %swap3A_84] {strides = array<i32>} : memref<125x64xf32, #tpu.memory_space<vmem>>, vector<1x16xf32>,
      %swap3A_86 = vector.shape_cast %swap3A_85 : vector<1x16xf32> to vector<16xf32>
      %swap3A_87 = vector.shape_cast %broadcast_in_dim3A_83 : vector<16xf32> to vector<1x16xf32>
      tpu.vector_store %arg10[%swap3A, %swap3A_84], %swap3A_87 {strides = array<i32>} : memref<125x64xf32, #tpu.memory_space<vmem>>, vector<1x16xf32>,
      %broadcast_in_dim3A_88 = arith.constant 0.000000e+00 : f32
      %broadcast_in_dim3A_89 = vector.broadcast %broadcast_in_dim3A_88 : f32 to vector<16xf32>
      %swap3A_90 = arith.index_cast %scan3A_81 : i32 to index
      %swap3A_91 = arith.constant 16 : index
      %swap3A_92 = tpu.vector_load %arg10[%swap3A_90, %swap3A_91] {strides = array<i32>} : memref<125x64xf32, #tpu.memory_space<vmem>>, vector<1x16xf32>,
      %swap3A_93 = vector.shape_cast %swap3A_92 : vector<1x16xf32> to vector<16xf32>
      %swap3A_94 = vector.shape_cast %broadcast_in_dim3A_89 : vector<16xf32> to vector<1x16xf32>
      tpu.vector_store %arg10[%swap3A_90, %swap3A_91], %swap3A_94 {strides = array<i32>} : memref<125x64xf32, #tpu.memory_space<vmem>>, vector<1x16xf32>,
      %broadcast_in_dim3A_95 = arith.constant 0.000000e+00 : f32
      %broadcast_in_dim3A_96 = vector.broadcast %broadcast_in_dim3A_95 : f32 to vector<16xf32>
      %swap3A_97 = arith.index_cast %scan3A_81 : i32 to index
      %swap3A_98 = arith.constant 32 : index
      %swap3A_99 = tpu.vector_load %arg10[%swap3A_97, %swap3A_98] {strides = array<i32>} : memref<125x64xf32, #tpu.memory_space<vmem>>, vector<1x16xf32>,
      %swap3A_100 = vector.shape_cast %swap3A_99 : vector<1x16xf32> to vector<16xf32>
      %swap3A_101 = vector.shape_cast %broadcast_in_dim3A_96 : vector<16xf32> to vector<1x16xf32>
      tpu.vector_store %arg10[%swap3A_97, %swap3A_98], %swap3A_101 {strides = array<i32>} : memref<125x64xf32, #tpu.memory_space<vmem>>, vector<1x16xf32>,
      %broadcast_in_dim3A_102 = arith.constant 0.000000e+00 : f32
      %broadcast_in_dim3A_103 = vector.broadcast %broadcast_in_dim3A_102 : f32 to vector<16xf32>
      %swap3A_104 = arith.index_cast %scan3A_81 : i32 to index
      %swap3A_105 = arith.constant 48 : index
      %swap3A_106 = tpu.vector_load %arg10[%swap3A_104, %swap3A_105] {strides = array<i32>} : memref<125x64xf32, #tpu.memory_space<vmem>>, vector<1x16xf32>,
      %swap3A_107 = vector.shape_cast %swap3A_106 : vector<1x16xf32> to vector<16xf32>
      %swap3A_108 = vector.shape_cast %broadcast_in_dim3A_103 : vector<16xf32> to vector<1x16xf32>
      tpu.vector_store %arg10[%swap3A_104, %swap3A_105], %swap3A_108 {strides = array<i32>} : memref<125x64xf32, #tpu.memory_space<vmem>>, vector<1x16xf32>,
      %scan3A_109 = arith.constant 0 : i32
      scf.yield %scan3A_109 : i32
    }
    %scan3A_5 = arith.constant 125 : i32
    %scan3A_6 = arith.constant 0 : i32
    %scan3A_7 = arith.constant 0 : i32
    %scan3A_8 = arith.constant 125 : i32
    %scan3A_9 = arith.addi %scan3A_7, %scan3A_8 : i32
    %scan3A_10 = arith.constant 1 : i32
    %scan3A_11 = scf.for %scan3A_81 = %scan3A_7 to %scan3A_9 step %scan3A_10 iter_args(%scan3A_82 = %scan3A_6) -> (i32)  : i32 {
      %broadcast_in_dim3A = arith.constant 0.000000e+00 : f32
      %broadcast_in_dim3A_83 = vector.broadcast %broadcast_in_dim3A : f32 to vector<16xf32>
      %swap3A = arith.index_cast %scan3A_81 : i32 to index
      %swap3A_84 = arith.constant 0 : index
      %swap3A_85 = tpu.vector_load %arg15[%swap3A, %swap3A_84] {strides = array<i32>} : memref<125x16xf32, #tpu.memory_space<vmem>>, vector<1x16xf32>,
      %swap3A_86 = vector.shape_cast %swap3A_85 : vector<1x16xf32> to vector<16xf32>
      %swap3A_87 = vector.shape_cast %broadcast_in_dim3A_83 : vector<16xf32> to vector<1x16xf32>
      tpu.vector_store %arg15[%swap3A, %swap3A_84], %swap3A_87 {strides = array<i32>} : memref<125x16xf32, #tpu.memory_space<vmem>>, vector<1x16xf32>,
      %broadcast_in_dim3A_88 = arith.constant 1.000000e+00 : f32
      %broadcast_in_dim3A_89 = vector.broadcast %broadcast_in_dim3A_88 : f32 to vector<16xf32>
      %swap3A_90 = arith.index_cast %scan3A_81 : i32 to index
      %swap3A_91 = arith.constant 0 : index
      %swap3A_92 = tpu.vector_load %arg14[%swap3A_90, %swap3A_91] {strides = array<i32>} : memref<125x16xf32, #tpu.memory_space<vmem>>, vector<1x16xf32>,
      %swap3A_93 = vector.shape_cast %swap3A_92 : vector<1x16xf32> to vector<16xf32>
      %swap3A_94 = vector.shape_cast %broadcast_in_dim3A_89 : vector<16xf32> to vector<1x16xf32>
      tpu.vector_store %arg14[%swap3A_90, %swap3A_91], %swap3A_94 {strides = array<i32>} : memref<125x16xf32, #tpu.memory_space<vmem>>, vector<1x16xf32>,
      %scan3A_95 = arith.constant 0 : i32
      scf.yield %scan3A_95 : i32
    }
    %scan3A_12 = arith.constant 125 : i32
    %mul3A = arith.constant 632 : i32
    %mul3A_13 = arith.muli %arg1, %mul3A : i32
    %add3A = arith.constant 0 : i32
    %add3A_14 = arith.addi %mul3A_13, %add3A : i32
    "tpu.region"() ({
      %run_scoped3A = tpu.sem_alloc : memref<!tpu.dma_semaphore, #tpu.memory_space<semaphore_mem>>
      %dma_start3A_81 = arith.constant 0 : i32
      %dma_start3A_82 = tpu.memref_slice %arg16[%add3A_14, %dma_start3A_81] : memref<10112x64xf32, #tpu.memory_space<vmem_shared>> -> memref<125x64xf32, #tpu.memory_space<vmem_shared>>
      %dma_start3A_83 = arith.constant 0 : i32
      %dma_start3A_84 = tpu.memref_slice %arg16[%add3A_14, %dma_start3A_83] : memref<10112x64xf32, #tpu.memory_space<vmem_shared>> -> memref<125x64xf32, #tpu.memory_space<vmem_shared>>
      tpu.enqueue_dma source(%arg10 : memref<125x64xf32, #tpu.memory_space<vmem>>) target(%dma_start3A_84 : memref<125x64xf32, #tpu.memory_space<vmem_shared>>) target_semaphore(%run_scoped3A : memref<!tpu.dma_semaphore, #tpu.memory_space<semaphore_mem>>)
      %dma_wait3A_85 = arith.constant 0 : i32
      %dma_wait3A_86 = tpu.memref_slice %arg16[%add3A_14, %dma_wait3A_85] : memref<10112x64xf32, #tpu.memory_space<vmem_shared>> -> memref<125x64xf32, #tpu.memory_space<vmem_shared>>
      %dma_wait3A_87 = arith.constant 0 : i32
      %dma_wait3A_88 = tpu.memref_slice %arg16[%add3A_14, %dma_wait3A_87] : memref<10112x64xf32, #tpu.memory_space<vmem_shared>> -> memref<125x64xf32, #tpu.memory_space<vmem_shared>>
      tpu.wait_dma2 semaphore(%run_scoped3A : memref<!tpu.dma_semaphore, #tpu.memory_space<semaphore_mem>>) src(%arg10 : memref<125x64xf32, #tpu.memory_space<vmem>>) dst(%dma_wait3A_88 : memref<125x64xf32, #tpu.memory_space<vmem_shared>>)
      tpu.yield
    }) : () -> ()
    %add3A_15 = arith.constant 125 : i32
    %add3A_16 = arith.addi %mul3A_13, %add3A_15 : i32
    "tpu.region"() ({
      %run_scoped3A = tpu.sem_alloc : memref<!tpu.dma_semaphore, #tpu.memory_space<semaphore_mem>>
      %dma_start3A_81 = arith.constant 0 : i32
      %dma_start3A_82 = tpu.memref_slice %arg16[%add3A_16, %dma_start3A_81] : memref<10112x64xf32, #tpu.memory_space<vmem_shared>> -> memref<125x64xf32, #tpu.memory_space<vmem_shared>>
      %dma_start3A_83 = arith.constant 0 : i32
      %dma_start3A_84 = tpu.memref_slice %arg16[%add3A_16, %dma_start3A_83] : memref<10112x64xf32, #tpu.memory_space<vmem_shared>> -> memref<125x64xf32, #tpu.memory_space<vmem_shared>>
      tpu.enqueue_dma source(%arg10 : memref<125x64xf32, #tpu.memory_space<vmem>>) target(%dma_start3A_84 : memref<125x64xf32, #tpu.memory_space<vmem_shared>>) target_semaphore(%run_scoped3A : memref<!tpu.dma_semaphore, #tpu.memory_space<semaphore_mem>>)
      %dma_wait3A_85 = arith.constant 0 : i32
      %dma_wait3A_86 = tpu.memref_slice %arg16[%add3A_16, %dma_wait3A_85] : memref<10112x64xf32, #tpu.memory_space<vmem_shared>> -> memref<125x64xf32, #tpu.memory_space<vmem_shared>>
      %dma_wait3A_87 = arith.constant 0 : i32
      %dma_wait3A_88 = tpu.memref_slice %arg16[%add3A_16, %dma_wait3A_87] : memref<10112x64xf32, #tpu.memory_space<vmem_shared>> -> memref<125x64xf32, #tpu.memory_space<vmem_shared>>
      tpu.wait_dma2 semaphore(%run_scoped3A : memref<!tpu.dma_semaphore, #tpu.memory_space<semaphore_mem>>) src(%arg10 : memref<125x64xf32, #tpu.memory_space<vmem>>) dst(%dma_wait3A_88 : memref<125x64xf32, #tpu.memory_space<vmem_shared>>)
      tpu.yield
    }) : () -> ()
    %add3A_17 = arith.constant 250 : i32
    %add3A_18 = arith.addi %mul3A_13, %add3A_17 : i32
    "tpu.region"() ({
      %run_scoped3A = tpu.sem_alloc : memref<!tpu.dma_semaphore, #tpu.memory_space<semaphore_mem>>
      %dma_start3A_81 = arith.constant 0 : i32
      %dma_start3A_82 = tpu.memref_slice %arg16[%add3A_18, %dma_start3A_81] : memref<10112x64xf32, #tpu.memory_space<vmem_shared>> -> memref<125x64xf32, #tpu.memory_space<vmem_shared>>
      %dma_start3A_83 = arith.constant 0 : i32
      %dma_start3A_84 = tpu.memref_slice %arg16[%add3A_18, %dma_start3A_83] : memref<10112x64xf32, #tpu.memory_space<vmem_shared>> -> memref<125x64xf32, #tpu.memory_space<vmem_shared>>
      tpu.enqueue_dma source(%arg10 : memref<125x64xf32, #tpu.memory_space<vmem>>) target(%dma_start3A_84 : memref<125x64xf32, #tpu.memory_space<vmem_shared>>) target_semaphore(%run_scoped3A : memref<!tpu.dma_semaphore, #tpu.memory_space<semaphore_mem>>)
      %dma_wait3A_85 = arith.constant 0 : i32
      %dma_wait3A_86 = tpu.memref_slice %arg16[%add3A_18, %dma_wait3A_85] : memref<10112x64xf32, #tpu.memory_space<vmem_shared>> -> memref<125x64xf32, #tpu.memory_space<vmem_shared>>
      %dma_wait3A_87 = arith.constant 0 : i32
      %dma_wait3A_88 = tpu.memref_slice %arg16[%add3A_18, %dma_wait3A_87] : memref<10112x64xf32, #tpu.memory_space<vmem_shared>> -> memref<125x64xf32, #tpu.memory_space<vmem_shared>>
      tpu.wait_dma2 semaphore(%run_scoped3A : memref<!tpu.dma_semaphore, #tpu.memory_space<semaphore_mem>>) src(%arg10 : memref<125x64xf32, #tpu.memory_space<vmem>>) dst(%dma_wait3A_88 : memref<125x64xf32, #tpu.memory_space<vmem_shared>>)
      tpu.yield
    }) : () -> ()
    %add3A_19 = arith.constant 375 : i32
    %add3A_20 = arith.addi %mul3A_13, %add3A_19 : i32
    "tpu.region"() ({
      %run_scoped3A = tpu.sem_alloc : memref<!tpu.dma_semaphore, #tpu.memory_space<semaphore_mem>>
      %dma_start3A_81 = arith.constant 0 : i32
      %dma_start3A_82 = tpu.memref_slice %arg16[%add3A_20, %dma_start3A_81] : memref<10112x64xf32, #tpu.memory_space<vmem_shared>> -> memref<125x64xf32, #tpu.memory_space<vmem_shared>>
      %dma_start3A_83 = arith.constant 0 : i32
      %dma_start3A_84 = tpu.memref_slice %arg16[%add3A_20, %dma_start3A_83] : memref<10112x64xf32, #tpu.memory_space<vmem_shared>> -> memref<125x64xf32, #tpu.memory_space<vmem_shared>>
      tpu.enqueue_dma source(%arg10 : memref<125x64xf32, #tpu.memory_space<vmem>>) target(%dma_start3A_84 : memref<125x64xf32, #tpu.memory_space<vmem_shared>>) target_semaphore(%run_scoped3A : memref<!tpu.dma_semaphore, #tpu.memory_space<semaphore_mem>>)
      %dma_wait3A_85 = arith.constant 0 : i32
      %dma_wait3A_86 = tpu.memref_slice %arg16[%add3A_20, %dma_wait3A_85] : memref<10112x64xf32, #tpu.memory_space<vmem_shared>> -> memref<125x64xf32, #tpu.memory_space<vmem_shared>>
      %dma_wait3A_87 = arith.constant 0 : i32
      %dma_wait3A_88 = tpu.memref_slice %arg16[%add3A_20, %dma_wait3A_87] : memref<10112x64xf32, #tpu.memory_space<vmem_shared>> -> memref<125x64xf32, #tpu.memory_space<vmem_shared>>
      tpu.wait_dma2 semaphore(%run_scoped3A : memref<!tpu.dma_semaphore, #tpu.memory_space<semaphore_mem>>) src(%arg10 : memref<125x64xf32, #tpu.memory_space<vmem>>) dst(%dma_wait3A_88 : memref<125x64xf32, #tpu.memory_space<vmem_shared>>)
      tpu.yield
    }) : () -> ()
    %add3A_21 = arith.constant 500 : i32
    %add3A_22 = arith.addi %mul3A_13, %add3A_21 : i32
    "tpu.region"() ({
      %run_scoped3A = tpu.sem_alloc : memref<!tpu.dma_semaphore, #tpu.memory_space<semaphore_mem>>
      %dma_start3A_81 = arith.constant 0 : i32
      %dma_start3A_82 = tpu.memref_slice %arg16[%add3A_22, %dma_start3A_81] : memref<10112x64xf32, #tpu.memory_space<vmem_shared>> -> memref<125x64xf32, #tpu.memory_space<vmem_shared>>
      %dma_start3A_83 = arith.constant 0 : i32
      %dma_start3A_84 = tpu.memref_slice %arg16[%add3A_22, %dma_start3A_83] : memref<10112x64xf32, #tpu.memory_space<vmem_shared>> -> memref<125x64xf32, #tpu.memory_space<vmem_shared>>
      tpu.enqueue_dma source(%arg10 : memref<125x64xf32, #tpu.memory_space<vmem>>) target(%dma_start3A_84 : memref<125x64xf32, #tpu.memory_space<vmem_shared>>) target_semaphore(%run_scoped3A : memref<!tpu.dma_semaphore, #tpu.memory_space<semaphore_mem>>)
      %dma_wait3A_85 = arith.constant 0 : i32
      %dma_wait3A_86 = tpu.memref_slice %arg16[%add3A_22, %dma_wait3A_85] : memref<10112x64xf32, #tpu.memory_space<vmem_shared>> -> memref<125x64xf32, #tpu.memory_space<vmem_shared>>
      %dma_wait3A_87 = arith.constant 0 : i32
      %dma_wait3A_88 = tpu.memref_slice %arg16[%add3A_22, %dma_wait3A_87] : memref<10112x64xf32, #tpu.memory_space<vmem_shared>> -> memref<125x64xf32, #tpu.memory_space<vmem_shared>>
      tpu.wait_dma2 semaphore(%run_scoped3A : memref<!tpu.dma_semaphore, #tpu.memory_space<semaphore_mem>>) src(%arg10 : memref<125x64xf32, #tpu.memory_space<vmem>>) dst(%dma_wait3A_88 : memref<125x64xf32, #tpu.memory_space<vmem_shared>>)
      tpu.yield
    }) : () -> ()
    %add3A_23 = arith.constant 625 : i32
    %add3A_24 = arith.addi %mul3A_13, %add3A_23 : i32
    "tpu.region"() ({
      %run_scoped3A = tpu.sem_alloc : memref<!tpu.dma_semaphore, #tpu.memory_space<semaphore_mem>>
      %dma_start3A_81 = arith.constant 0 : i32
      %dma_start3A_82 = arith.constant 0 : i32
      %dma_start3A_83 = tpu.memref_slice %arg10[%dma_start3A_81, %dma_start3A_82] : memref<125x64xf32, #tpu.memory_space<vmem>> -> memref<7x64xf32, #tpu.memory_space<vmem>>
      %dma_start3A_84 = arith.constant 0 : i32
      %dma_start3A_85 = tpu.memref_slice %arg16[%add3A_24, %dma_start3A_84] : memref<10112x64xf32, #tpu.memory_space<vmem_shared>> -> memref<7x64xf32, #tpu.memory_space<vmem_shared>>
      %dma_start3A_86 = arith.constant 0 : i32
      %dma_start3A_87 = tpu.memref_slice %arg16[%add3A_24, %dma_start3A_86] : memref<10112x64xf32, #tpu.memory_space<vmem_shared>> -> memref<7x64xf32, #tpu.memory_space<vmem_shared>>
      %dma_start3A_88 = arith.constant 0 : i32
      %dma_start3A_89 = arith.constant 0 : i32
      %dma_start3A_90 = tpu.memref_slice %arg10[%dma_start3A_88, %dma_start3A_89] : memref<125x64xf32, #tpu.memory_space<vmem>> -> memref<7x64xf32, #tpu.memory_space<vmem>>
      tpu.enqueue_dma source(%dma_start3A_90 : memref<7x64xf32, #tpu.memory_space<vmem>>) target(%dma_start3A_87 : memref<7x64xf32, #tpu.memory_space<vmem_shared>>) target_semaphore(%run_scoped3A : memref<!tpu.dma_semaphore, #tpu.memory_space<semaphore_mem>>)
      %dma_wait3A_91 = arith.constant 0 : i32
      %dma_wait3A_92 = arith.constant 0 : i32
      %dma_wait3A_93 = tpu.memref_slice %arg10[%dma_wait3A_91, %dma_wait3A_92] : memref<125x64xf32, #tpu.memory_space<vmem>> -> memref<7x64xf32, #tpu.memory_space<vmem>>
      %dma_wait3A_94 = arith.constant 0 : i32
      %dma_wait3A_95 = tpu.memref_slice %arg16[%add3A_24, %dma_wait3A_94] : memref<10112x64xf32, #tpu.memory_space<vmem_shared>> -> memref<7x64xf32, #tpu.memory_space<vmem_shared>>
      %dma_wait3A_96 = arith.constant 0 : i32
      %dma_wait3A_97 = tpu.memref_slice %arg16[%add3A_24, %dma_wait3A_96] : memref<10112x64xf32, #tpu.memory_space<vmem_shared>> -> memref<7x64xf32, #tpu.memory_space<vmem_shared>>
      %dma_wait3A_98 = arith.constant 0 : i32
      %dma_wait3A_99 = arith.constant 0 : i32
      %dma_wait3A_100 = tpu.memref_slice %arg10[%dma_wait3A_98, %dma_wait3A_99] : memref<125x64xf32, #tpu.memory_space<vmem>> -> memref<7x64xf32, #tpu.memory_space<vmem>>
      tpu.wait_dma2 semaphore(%run_scoped3A : memref<!tpu.dma_semaphore, #tpu.memory_space<semaphore_mem>>) src(%dma_wait3A_100 : memref<7x64xf32, #tpu.memory_space<vmem>>) dst(%dma_wait3A_97 : memref<7x64xf32, #tpu.memory_space<vmem_shared>>)
      tpu.yield
    }) : () -> ()
    %eq3A = arith.constant 0 : i32
    %eq3A_25 = arith.cmpi eq, %arg0, %eq3A : i32
    %convert_element_type3A = arith.extui %eq3A_25 : i1 to i32
    %cond3A = arith.constant 0 : i32
    %cond3A_26 = arith.cmpi ne, %convert_element_type3A, %cond3A : i32
    scf.if %cond3A_26 {
      %add3A_81 = arith.constant 0 : i32
      %add3A_82 = arith.addi %mul3A_13, %add3A_81 : i32
      "tpu.region"() ({
        %run_scoped3A = tpu.sem_alloc : memref<!tpu.dma_semaphore, #tpu.memory_space<semaphore_mem>>
        %dma_start3A_93 = arith.constant 0 : i32
        %dma_start3A_94 = tpu.memref_slice %arg17[%add3A_82, %dma_start3A_93] : memref<10112x16xf32, #tpu.memory_space<vmem_shared>> -> memref<125x16xf32, #tpu.memory_space<vmem_shared>>
        %dma_start3A_95 = arith.constant 0 : i32
        %dma_start3A_96 = tpu.memref_slice %arg17[%add3A_82, %dma_start3A_95] : memref<10112x16xf32, #tpu.memory_space<vmem_shared>> -> memref<125x16xf32, #tpu.memory_space<vmem_shared>>
        tpu.enqueue_dma source(%arg15 : memref<125x16xf32, #tpu.memory_space<vmem>>) target(%dma_start3A_96 : memref<125x16xf32, #tpu.memory_space<vmem_shared>>) target_semaphore(%run_scoped3A : memref<!tpu.dma_semaphore, #tpu.memory_space<semaphore_mem>>)
        %dma_wait3A_97 = arith.constant 0 : i32
        %dma_wait3A_98 = tpu.memref_slice %arg17[%add3A_82, %dma_wait3A_97] : memref<10112x16xf32, #tpu.memory_space<vmem_shared>> -> memref<125x16xf32, #tpu.memory_space<vmem_shared>>
        %dma_wait3A_99 = arith.constant 0 : i32
        %dma_wait3A_100 = tpu.memref_slice %arg17[%add3A_82, %dma_wait3A_99] : memref<10112x16xf32, #tpu.memory_space<vmem_shared>> -> memref<125x16xf32, #tpu.memory_space<vmem_shared>>
        tpu.wait_dma2 semaphore(%run_scoped3A : memref<!tpu.dma_semaphore, #tpu.memory_space<semaphore_mem>>) src(%arg15 : memref<125x16xf32, #tpu.memory_space<vmem>>) dst(%dma_wait3A_100 : memref<125x16xf32, #tpu.memory_space<vmem_shared>>)
        tpu.yield
      }) : () -> ()
      %add3A_83 = arith.constant 125 : i32
      %add3A_84 = arith.addi %mul3A_13, %add3A_83 : i32
      "tpu.region"() ({
        %run_scoped3A = tpu.sem_alloc : memref<!tpu.dma_semaphore, #tpu.memory_space<semaphore_mem>>
        %dma_start3A_93 = arith.constant 0 : i32
        %dma_start3A_94 = tpu.memref_slice %arg17[%add3A_84, %dma_start3A_93] : memref<10112x16xf32, #tpu.memory_space<vmem_shared>> -> memref<125x16xf32, #tpu.memory_space<vmem_shared>>
        %dma_start3A_95 = arith.constant 0 : i32
        %dma_start3A_96 = tpu.memref_slice %arg17[%add3A_84, %dma_start3A_95] : memref<10112x16xf32, #tpu.memory_space<vmem_shared>> -> memref<125x16xf32, #tpu.memory_space<vmem_shared>>
        tpu.enqueue_dma source(%arg15 : memref<125x16xf32, #tpu.memory_space<vmem>>) target(%dma_start3A_96 : memref<125x16xf32, #tpu.memory_space<vmem_shared>>) target_semaphore(%run_scoped3A : memref<!tpu.dma_semaphore, #tpu.memory_space<semaphore_mem>>)
        %dma_wait3A_97 = arith.constant 0 : i32
        %dma_wait3A_98 = tpu.memref_slice %arg17[%add3A_84, %dma_wait3A_97] : memref<10112x16xf32, #tpu.memory_space<vmem_shared>> -> memref<125x16xf32, #tpu.memory_space<vmem_shared>>
        %dma_wait3A_99 = arith.constant 0 : i32
        %dma_wait3A_100 = tpu.memref_slice %arg17[%add3A_84, %dma_wait3A_99] : memref<10112x16xf32, #tpu.memory_space<vmem_shared>> -> memref<125x16xf32, #tpu.memory_space<vmem_shared>>
        tpu.wait_dma2 semaphore(%run_scoped3A : memref<!tpu.dma_semaphore, #tpu.memory_space<semaphore_mem>>) src(%arg15 : memref<125x16xf32, #tpu.memory_space<vmem>>) dst(%dma_wait3A_100 : memref<125x16xf32, #tpu.memory_space<vmem_shared>>)
        tpu.yield
      }) : () -> ()
      %add3A_85 = arith.constant 250 : i32
      %add3A_86 = arith.addi %mul3A_13, %add3A_85 : i32
      "tpu.region"() ({
        %run_scoped3A = tpu.sem_alloc : memref<!tpu.dma_semaphore, #tpu.memory_space<semaphore_mem>>
        %dma_start3A_93 = arith.constant 0 : i32
        %dma_start3A_94 = tpu.memref_slice %arg17[%add3A_86, %dma_start3A_93] : memref<10112x16xf32, #tpu.memory_space<vmem_shared>> -> memref<125x16xf32, #tpu.memory_space<vmem_shared>>
        %dma_start3A_95 = arith.constant 0 : i32
        %dma_start3A_96 = tpu.memref_slice %arg17[%add3A_86, %dma_start3A_95] : memref<10112x16xf32, #tpu.memory_space<vmem_shared>> -> memref<125x16xf32, #tpu.memory_space<vmem_shared>>
        tpu.enqueue_dma source(%arg15 : memref<125x16xf32, #tpu.memory_space<vmem>>) target(%dma_start3A_96 : memref<125x16xf32, #tpu.memory_space<vmem_shared>>) target_semaphore(%run_scoped3A : memref<!tpu.dma_semaphore, #tpu.memory_space<semaphore_mem>>)
        %dma_wait3A_97 = arith.constant 0 : i32
        %dma_wait3A_98 = tpu.memref_slice %arg17[%add3A_86, %dma_wait3A_97] : memref<10112x16xf32, #tpu.memory_space<vmem_shared>> -> memref<125x16xf32, #tpu.memory_space<vmem_shared>>
        %dma_wait3A_99 = arith.constant 0 : i32
        %dma_wait3A_100 = tpu.memref_slice %arg17[%add3A_86, %dma_wait3A_99] : memref<10112x16xf32, #tpu.memory_space<vmem_shared>> -> memref<125x16xf32, #tpu.memory_space<vmem_shared>>
        tpu.wait_dma2 semaphore(%run_scoped3A : memref<!tpu.dma_semaphore, #tpu.memory_space<semaphore_mem>>) src(%arg15 : memref<125x16xf32, #tpu.memory_space<vmem>>) dst(%dma_wait3A_100 : memref<125x16xf32, #tpu.memory_space<vmem_shared>>)
        tpu.yield
      }) : () -> ()
      %add3A_87 = arith.constant 375 : i32
      %add3A_88 = arith.addi %mul3A_13, %add3A_87 : i32
      "tpu.region"() ({
        %run_scoped3A = tpu.sem_alloc : memref<!tpu.dma_semaphore, #tpu.memory_space<semaphore_mem>>
        %dma_start3A_93 = arith.constant 0 : i32
        %dma_start3A_94 = tpu.memref_slice %arg17[%add3A_88, %dma_start3A_93] : memref<10112x16xf32, #tpu.memory_space<vmem_shared>> -> memref<125x16xf32, #tpu.memory_space<vmem_shared>>
        %dma_start3A_95 = arith.constant 0 : i32
        %dma_start3A_96 = tpu.memref_slice %arg17[%add3A_88, %dma_start3A_95] : memref<10112x16xf32, #tpu.memory_space<vmem_shared>> -> memref<125x16xf32, #tpu.memory_space<vmem_shared>>
        tpu.enqueue_dma source(%arg15 : memref<125x16xf32, #tpu.memory_space<vmem>>) target(%dma_start3A_96 : memref<125x16xf32, #tpu.memory_space<vmem_shared>>) target_semaphore(%run_scoped3A : memref<!tpu.dma_semaphore, #tpu.memory_space<semaphore_mem>>)
        %dma_wait3A_97 = arith.constant 0 : i32
        %dma_wait3A_98 = tpu.memref_slice %arg17[%add3A_88, %dma_wait3A_97] : memref<10112x16xf32, #tpu.memory_space<vmem_shared>> -> memref<125x16xf32, #tpu.memory_space<vmem_shared>>
        %dma_wait3A_99 = arith.constant 0 : i32
        %dma_wait3A_100 = tpu.memref_slice %arg17[%add3A_88, %dma_wait3A_99] : memref<10112x16xf32, #tpu.memory_space<vmem_shared>> -> memref<125x16xf32, #tpu.memory_space<vmem_shared>>
        tpu.wait_dma2 semaphore(%run_scoped3A : memref<!tpu.dma_semaphore, #tpu.memory_space<semaphore_mem>>) src(%arg15 : memref<125x16xf32, #tpu.memory_space<vmem>>) dst(%dma_wait3A_100 : memref<125x16xf32, #tpu.memory_space<vmem_shared>>)
        tpu.yield
      }) : () -> ()
      %add3A_89 = arith.constant 500 : i32
      %add3A_90 = arith.addi %mul3A_13, %add3A_89 : i32
      "tpu.region"() ({
        %run_scoped3A = tpu.sem_alloc : memref<!tpu.dma_semaphore, #tpu.memory_space<semaphore_mem>>
        %dma_start3A_93 = arith.constant 0 : i32
        %dma_start3A_94 = tpu.memref_slice %arg17[%add3A_90, %dma_start3A_93] : memref<10112x16xf32, #tpu.memory_space<vmem_shared>> -> memref<125x16xf32, #tpu.memory_space<vmem_shared>>
        %dma_start3A_95 = arith.constant 0 : i32
        %dma_start3A_96 = tpu.memref_slice %arg17[%add3A_90, %dma_start3A_95] : memref<10112x16xf32, #tpu.memory_space<vmem_shared>> -> memref<125x16xf32, #tpu.memory_space<vmem_shared>>
        tpu.enqueue_dma source(%arg15 : memref<125x16xf32, #tpu.memory_space<vmem>>) target(%dma_start3A_96 : memref<125x16xf32, #tpu.memory_space<vmem_shared>>) target_semaphore(%run_scoped3A : memref<!tpu.dma_semaphore, #tpu.memory_space<semaphore_mem>>)
        %dma_wait3A_97 = arith.constant 0 : i32
        %dma_wait3A_98 = tpu.memref_slice %arg17[%add3A_90, %dma_wait3A_97] : memref<10112x16xf32, #tpu.memory_space<vmem_shared>> -> memref<125x16xf32, #tpu.memory_space<vmem_shared>>
        %dma_wait3A_99 = arith.constant 0 : i32
        %dma_wait3A_100 = tpu.memref_slice %arg17[%add3A_90, %dma_wait3A_99] : memref<10112x16xf32, #tpu.memory_space<vmem_shared>> -> memref<125x16xf32, #tpu.memory_space<vmem_shared>>
        tpu.wait_dma2 semaphore(%run_scoped3A : memref<!tpu.dma_semaphore, #tpu.memory_space<semaphore_mem>>) src(%arg15 : memref<125x16xf32, #tpu.memory_space<vmem>>) dst(%dma_wait3A_100 : memref<125x16xf32, #tpu.memory_space<vmem_shared>>)
        tpu.yield
      }) : () -> ()
      %add3A_91 = arith.constant 625 : i32
      %add3A_92 = arith.addi %mul3A_13, %add3A_91 : i32
      "tpu.region"() ({
        %run_scoped3A = tpu.sem_alloc : memref<!tpu.dma_semaphore, #tpu.memory_space<semaphore_mem>>
        %dma_start3A_93 = arith.constant 0 : i32
        %dma_start3A_94 = arith.constant 0 : i32
        %dma_start3A_95 = tpu.memref_slice %arg15[%dma_start3A_93, %dma_start3A_94] : memref<125x16xf32, #tpu.memory_space<vmem>> -> memref<7x16xf32, #tpu.memory_space<vmem>>
        %dma_start3A_96 = arith.constant 0 : i32
        %dma_start3A_97 = tpu.memref_slice %arg17[%add3A_92, %dma_start3A_96] : memref<10112x16xf32, #tpu.memory_space<vmem_shared>> -> memref<7x16xf32, #tpu.memory_space<vmem_shared>>
        %dma_start3A_98 = arith.constant 0 : i32
        %dma_start3A_99 = tpu.memref_slice %arg17[%add3A_92, %dma_start3A_98] : memref<10112x16xf32, #tpu.memory_space<vmem_shared>> -> memref<7x16xf32, #tpu.memory_space<vmem_shared>>
        %dma_start3A_100 = arith.constant 0 : i32
        %dma_start3A_101 = arith.constant 0 : i32
        %dma_start3A_102 = tpu.memref_slice %arg15[%dma_start3A_100, %dma_start3A_101] : memref<125x16xf32, #tpu.memory_space<vmem>> -> memref<7x16xf32, #tpu.memory_space<vmem>>
        tpu.enqueue_dma source(%dma_start3A_102 : memref<7x16xf32, #tpu.memory_space<vmem>>) target(%dma_start3A_99 : memref<7x16xf32, #tpu.memory_space<vmem_shared>>) target_semaphore(%run_scoped3A : memref<!tpu.dma_semaphore, #tpu.memory_space<semaphore_mem>>)
        %dma_wait3A_103 = arith.constant 0 : i32
        %dma_wait3A_104 = arith.constant 0 : i32
        %dma_wait3A_105 = tpu.memref_slice %arg15[%dma_wait3A_103, %dma_wait3A_104] : memref<125x16xf32, #tpu.memory_space<vmem>> -> memref<7x16xf32, #tpu.memory_space<vmem>>
        %dma_wait3A_106 = arith.constant 0 : i32
        %dma_wait3A_107 = tpu.memref_slice %arg17[%add3A_92, %dma_wait3A_106] : memref<10112x16xf32, #tpu.memory_space<vmem_shared>> -> memref<7x16xf32, #tpu.memory_space<vmem_shared>>
        %dma_wait3A_108 = arith.constant 0 : i32
        %dma_wait3A_109 = tpu.memref_slice %arg17[%add3A_92, %dma_wait3A_108] : memref<10112x16xf32, #tpu.memory_space<vmem_shared>> -> memref<7x16xf32, #tpu.memory_space<vmem_shared>>
        %dma_wait3A_110 = arith.constant 0 : i32
        %dma_wait3A_111 = arith.constant 0 : i32
        %dma_wait3A_112 = tpu.memref_slice %arg15[%dma_wait3A_110, %dma_wait3A_111] : memref<125x16xf32, #tpu.memory_space<vmem>> -> memref<7x16xf32, #tpu.memory_space<vmem>>
        tpu.wait_dma2 semaphore(%run_scoped3A : memref<!tpu.dma_semaphore, #tpu.memory_space<semaphore_mem>>) src(%dma_wait3A_112 : memref<7x16xf32, #tpu.memory_space<vmem>>) dst(%dma_wait3A_109 : memref<7x16xf32, #tpu.memory_space<vmem_shared>>)
        tpu.yield
      }) : () -> ()
    } else {
    }
    %eq3A_27 = arith.constant 0 : i32
    %eq3A_28 = arith.cmpi eq, %arg0, %eq3A_27 : i32
    %convert_element_type3A_29 = arith.extui %eq3A_28 : i1 to i32
    %cond3A_30 = arith.constant 0 : i32
    %cond3A_31 = arith.cmpi ne, %convert_element_type3A_29, %cond3A_30 : i32
    scf.if %cond3A_31 {
      "tpu.region"() ({
        %run_scoped3A = tpu.sem_alloc : memref<!tpu.dma_semaphore, #tpu.memory_space<semaphore_mem>>
        %dma_start3A_81 = arith.constant 0 : i32
        %dma_start3A_82 = arith.constant 0 : i32
        %dma_start3A_83 = tpu.memref_slice %arg3[%arg1, %dma_start3A_81, %dma_start3A_82] : memref<16x160x125xi32, #tpu.memory_space<hbm>> -> memref<1x160x125xi32, #tpu.memory_space<hbm>>
        %dma_start3A_84 = tpu.memref_squeeze %dma_start3A_83 : memref<1x160x125xi32, #tpu.memory_space<hbm>> -> memref<160x125xi32, #tpu.memory_space<hbm>>
        %dma_start3A_85 = arith.constant 0 : i32
        %dma_start3A_86 = arith.constant 0 : i32
        %dma_start3A_87 = tpu.memref_slice %arg3[%arg1, %dma_start3A_85, %dma_start3A_86] : memref<16x160x125xi32, #tpu.memory_space<hbm>> -> memref<1x160x125xi32, #tpu.memory_space<hbm>>
        %dma_start3A_88 = tpu.memref_squeeze %dma_start3A_87 : memref<1x160x125xi32, #tpu.memory_space<hbm>> -> memref<160x125xi32, #tpu.memory_space<hbm>>
        tpu.enqueue_dma source(%dma_start3A_88 : memref<160x125xi32, #tpu.memory_space<hbm>>) target(%arg8 : memref<160x125xi32, #tpu.memory_space<vmem>>) target_semaphore(%run_scoped3A : memref<!tpu.dma_semaphore, #tpu.memory_space<semaphore_mem>>)
        %dma_wait3A_89 = arith.constant 0 : i32
        %dma_wait3A_90 = arith.constant 0 : i32
        %dma_wait3A_91 = tpu.memref_slice %arg3[%arg1, %dma_wait3A_89, %dma_wait3A_90] : memref<16x160x125xi32, #tpu.memory_space<hbm>> -> memref<1x160x125xi32, #tpu.memory_space<hbm>>
        %dma_wait3A_92 = tpu.memref_squeeze %dma_wait3A_91 : memref<1x160x125xi32, #tpu.memory_space<hbm>> -> memref<160x125xi32, #tpu.memory_space<hbm>>
        %dma_wait3A_93 = arith.constant 0 : i32
        %dma_wait3A_94 = arith.constant 0 : i32
        %dma_wait3A_95 = tpu.memref_slice %arg3[%arg1, %dma_wait3A_93, %dma_wait3A_94] : memref<16x160x125xi32, #tpu.memory_space<hbm>> -> memref<1x160x125xi32, #tpu.memory_space<hbm>>
        %dma_wait3A_96 = tpu.memref_squeeze %dma_wait3A_95 : memref<1x160x125xi32, #tpu.memory_space<hbm>> -> memref<160x125xi32, #tpu.memory_space<hbm>>
        tpu.wait_dma2 semaphore(%run_scoped3A : memref<!tpu.dma_semaphore, #tpu.memory_space<semaphore_mem>>) src(%dma_wait3A_96 : memref<160x125xi32, #tpu.memory_space<hbm>>) dst(%arg8 : memref<160x125xi32, #tpu.memory_space<vmem>>)
        tpu.yield
      }) : () -> ()
    } else {
    }
    %eq3A_32 = arith.constant 1 : i32
    %eq3A_33 = arith.cmpi eq, %arg0, %eq3A_32 : i32
    %convert_element_type3A_34 = arith.extui %eq3A_33 : i1 to i32
    %cond3A_35 = arith.constant 0 : i32
    %cond3A_36 = arith.cmpi ne, %convert_element_type3A_34, %cond3A_35 : i32
    scf.if %cond3A_36 {
      "tpu.region"() ({
        %run_scoped3A = tpu.sem_alloc : memref<!tpu.dma_semaphore, #tpu.memory_space<semaphore_mem>>
        %dma_start3A_81 = arith.constant 0 : i32
        %dma_start3A_82 = arith.constant 0 : i32
        %dma_start3A_83 = tpu.memref_slice %arg4[%arg1, %dma_start3A_81, %dma_start3A_82] : memref<16x160x125xi32, #tpu.memory_space<hbm>> -> memref<1x160x125xi32, #tpu.memory_space<hbm>>
        %dma_start3A_84 = tpu.memref_squeeze %dma_start3A_83 : memref<1x160x125xi32, #tpu.memory_space<hbm>> -> memref<160x125xi32, #tpu.memory_space<hbm>>
        %dma_start3A_85 = arith.constant 0 : i32
        %dma_start3A_86 = arith.constant 0 : i32
        %dma_start3A_87 = tpu.memref_slice %arg4[%arg1, %dma_start3A_85, %dma_start3A_86] : memref<16x160x125xi32, #tpu.memory_space<hbm>> -> memref<1x160x125xi32, #tpu.memory_space<hbm>>
        %dma_start3A_88 = tpu.memref_squeeze %dma_start3A_87 : memref<1x160x125xi32, #tpu.memory_space<hbm>> -> memref<160x125xi32, #tpu.memory_space<hbm>>
        tpu.enqueue_dma source(%dma_start3A_88 : memref<160x125xi32, #tpu.memory_space<hbm>>) target(%arg8 : memref<160x125xi32, #tpu.memory_space<vmem>>) target_semaphore(%run_scoped3A : memref<!tpu.dma_semaphore, #tpu.memory_space<semaphore_mem>>)
        %dma_wait3A_89 = arith.constant 0 : i32
        %dma_wait3A_90 = arith.constant 0 : i32
        %dma_wait3A_91 = tpu.memref_slice %arg4[%arg1, %dma_wait3A_89, %dma_wait3A_90] : memref<16x160x125xi32, #tpu.memory_space<hbm>> -> memref<1x160x125xi32, #tpu.memory_space<hbm>>
        %dma_wait3A_92 = tpu.memref_squeeze %dma_wait3A_91 : memref<1x160x125xi32, #tpu.memory_space<hbm>> -> memref<160x125xi32, #tpu.memory_space<hbm>>
        %dma_wait3A_93 = arith.constant 0 : i32
        %dma_wait3A_94 = arith.constant 0 : i32
        %dma_wait3A_95 = tpu.memref_slice %arg4[%arg1, %dma_wait3A_93, %dma_wait3A_94] : memref<16x160x125xi32, #tpu.memory_space<hbm>> -> memref<1x160x125xi32, #tpu.memory_space<hbm>>
        %dma_wait3A_96 = tpu.memref_squeeze %dma_wait3A_95 : memref<1x160x125xi32, #tpu.memory_space<hbm>> -> memref<160x125xi32, #tpu.memory_space<hbm>>
        tpu.wait_dma2 semaphore(%run_scoped3A : memref<!tpu.dma_semaphore, #tpu.memory_space<semaphore_mem>>) src(%dma_wait3A_96 : memref<160x125xi32, #tpu.memory_space<hbm>>) dst(%arg8 : memref<160x125xi32, #tpu.memory_space<vmem>>)
        tpu.yield
      }) : () -> ()
    } else {
    }
    "tpu.region"() ({
      %run_scoped3A = tpu.sem_alloc : memref<!tpu.dma_semaphore, #tpu.memory_space<semaphore_mem>>
      %dma_start3A_81 = arith.constant 0 : i32
      %dma_start3A_82 = arith.constant 0 : i32
      %dma_start3A_83 = tpu.memref_slice %arg5[%arg1, %dma_start3A_81, %dma_start3A_82] : memref<16x160x125xi32, #tpu.memory_space<hbm>> -> memref<1x160x125xi32, #tpu.memory_space<hbm>>
      %dma_start3A_84 = tpu.memref_squeeze %dma_start3A_83 : memref<1x160x125xi32, #tpu.memory_space<hbm>> -> memref<160x125xi32, #tpu.memory_space<hbm>>
      %dma_start3A_85 = arith.constant 0 : i32
      %dma_start3A_86 = arith.constant 0 : i32
      %dma_start3A_87 = tpu.memref_slice %arg5[%arg1, %dma_start3A_85, %dma_start3A_86] : memref<16x160x125xi32, #tpu.memory_space<hbm>> -> memref<1x160x125xi32, #tpu.memory_space<hbm>>
      %dma_start3A_88 = tpu.memref_squeeze %dma_start3A_87 : memref<1x160x125xi32, #tpu.memory_space<hbm>> -> memref<160x125xi32, #tpu.memory_space<hbm>>
      tpu.enqueue_dma source(%dma_start3A_88 : memref<160x125xi32, #tpu.memory_space<hbm>>) target(%arg9 : memref<160x125xi32, #tpu.memory_space<vmem>>) target_semaphore(%run_scoped3A : memref<!tpu.dma_semaphore, #tpu.memory_space<semaphore_mem>>)
      %dma_wait3A_89 = arith.constant 0 : i32
      %dma_wait3A_90 = arith.constant 0 : i32
      %dma_wait3A_91 = tpu.memref_slice %arg5[%arg1, %dma_wait3A_89, %dma_wait3A_90] : memref<16x160x125xi32, #tpu.memory_space<hbm>> -> memref<1x160x125xi32, #tpu.memory_space<hbm>>
      %dma_wait3A_92 = tpu.memref_squeeze %dma_wait3A_91 : memref<1x160x125xi32, #tpu.memory_space<hbm>> -> memref<160x125xi32, #tpu.memory_space<hbm>>
      %dma_wait3A_93 = arith.constant 0 : i32
      %dma_wait3A_94 = arith.constant 0 : i32
      %dma_wait3A_95 = tpu.memref_slice %arg5[%arg1, %dma_wait3A_93, %dma_wait3A_94] : memref<16x160x125xi32, #tpu.memory_space<hbm>> -> memref<1x160x125xi32, #tpu.memory_space<hbm>>
      %dma_wait3A_96 = tpu.memref_squeeze %dma_wait3A_95 : memref<1x160x125xi32, #tpu.memory_space<hbm>> -> memref<160x125xi32, #tpu.memory_space<hbm>>
      tpu.wait_dma2 semaphore(%run_scoped3A : memref<!tpu.dma_semaphore, #tpu.memory_space<semaphore_mem>>) src(%dma_wait3A_96 : memref<160x125xi32, #tpu.memory_space<hbm>>) dst(%arg9 : memref<160x125xi32, #tpu.memory_space<vmem>>)
      tpu.yield
    }) : () -> ()
    %barrier3A = arith.constant 0 : index
    tpu.barrier barrier_id(%barrier3A)
    %dma_start3A = arith.constant 0 : i32
    %dma_start3A_37 = arith.constant 0 : i32
    %dma_start3A_38 = tpu.memref_slice %arg8[%dma_start3A, %dma_start3A_37] : memref<160x125xi32, #tpu.memory_space<vmem>> -> memref<1x125xi32, #tpu.memory_space<vmem>>
    %dma_start3A_39 = tpu.memref_squeeze %dma_start3A_38 : memref<1x125xi32, #tpu.memory_space<vmem>> -> memref<125xi32, #tpu.memory_space<vmem>>
    %dma_start3A_40 = arith.constant 0 : i32
    %dma_start3A_41 = arith.constant 0 : i32
    %dma_start3A_42 = tpu.memref_slice %arg2[%dma_start3A_40, %dma_start3A_41] : memref<20000x64xf32, #tpu.memory_space<hbm>> -> memref<20000x64xf32, #tpu.memory_space<hbm>>
    tpu.enqueue_indirect_dma source(%dma_start3A_42 : memref<20000x64xf32, #tpu.memory_space<hbm>>) target(%arg10 : memref<125x64xf32, #tpu.memory_space<vmem>>) offsets(%dma_start3A_39 : memref<125xi32, #tpu.memory_space<vmem>>) semaphore(%arg18 : memref<!tpu.dma_semaphore, #tpu.memory_space<semaphore_mem>>)
    %dma_start3A_43 = arith.constant 1 : i32
    %dma_start3A_44 = arith.constant 0 : i32
    %dma_start3A_45 = tpu.memref_slice %arg8[%dma_start3A_43, %dma_start3A_44] : memref<160x125xi32, #tpu.memory_space<vmem>> -> memref<1x125xi32, #tpu.memory_space<vmem>>
    %dma_start3A_46 = tpu.memref_squeeze %dma_start3A_45 : memref<1x125xi32, #tpu.memory_space<vmem>> -> memref<125xi32, #tpu.memory_space<vmem>>
    %dma_start3A_47 = arith.constant 0 : i32
    %dma_start3A_48 = arith.constant 0 : i32
    %dma_start3A_49 = tpu.memref_slice %arg2[%dma_start3A_47, %dma_start3A_48] : memref<20000x64xf32, #tpu.memory_space<hbm>> -> memref<20000x64xf32, #tpu.memory_space<hbm>>
    tpu.enqueue_indirect_dma source(%dma_start3A_49 : memref<20000x64xf32, #tpu.memory_space<hbm>>) target(%arg11 : memref<125x64xf32, #tpu.memory_space<vmem>>) offsets(%dma_start3A_46 : memref<125xi32, #tpu.memory_space<vmem>>) semaphore(%arg19 : memref<!tpu.dma_semaphore, #tpu.memory_space<semaphore_mem>>)
    %dma_start3A_50 = arith.constant 2 : i32
    %dma_start3A_51 = arith.constant 0 : i32
    %dma_start3A_52 = tpu.memref_slice %arg8[%dma_start3A_50, %dma_start3A_51] : memref<160x125xi32, #tpu.memory_space<vmem>> -> memref<1x125xi32, #tpu.memory_space<vmem>>
    %dma_start3A_53 = tpu.memref_squeeze %dma_start3A_52 : memref<1x125xi32, #tpu.memory_space<vmem>> -> memref<125xi32, #tpu.memory_space<vmem>>
    %dma_start3A_54 = arith.constant 0 : i32
    %dma_start3A_55 = arith.constant 0 : i32
    %dma_start3A_56 = tpu.memref_slice %arg2[%dma_start3A_54, %dma_start3A_55] : memref<20000x64xf32, #tpu.memory_space<hbm>> -> memref<20000x64xf32, #tpu.memory_space<hbm>>
    tpu.enqueue_indirect_dma source(%dma_start3A_56 : memref<20000x64xf32, #tpu.memory_space<hbm>>) target(%arg12 : memref<125x64xf32, #tpu.memory_space<vmem>>) offsets(%dma_start3A_53 : memref<125xi32, #tpu.memory_space<vmem>>) semaphore(%arg20 : memref<!tpu.dma_semaphore, #tpu.memory_space<semaphore_mem>>)
    %scan3A_57 = arith.constant 0 : i32
    %scan3A_58 = arith.constant 0 : i32
    %scan3A_59 = arith.constant 40 : i32
    %scan3A_60 = arith.addi %scan3A_58, %scan3A_59 : i32
    %scan3A_61 = arith.constant 1 : i32
    %scan3A_62 = scf.for %scan3A_81 = %scan3A_58 to %scan3A_60 step %scan3A_61 iter_args(%scan3A_82 = %scan3A_57) -> (i32)  : i32 {
      %mul3A_83 = arith.constant 4 : i32
      %mul3A_84 = arith.muli %mul3A_83, %scan3A_81 : i32
      %add3A_85 = arith.constant 0 : i32
      %add3A_86 = arith.addi %mul3A_84, %add3A_85 : i32
      %dma_wait3A_87 = arith.constant 0 : i32
      %dma_wait3A_88 = arith.constant 0 : i32
      %dma_wait3A_89 = tpu.memref_slice %arg8[%dma_wait3A_87, %dma_wait3A_88] : memref<160x125xi32, #tpu.memory_space<vmem>> -> memref<1x125xi32, #tpu.memory_space<vmem>>
      %dma_wait3A_90 = tpu.memref_squeeze %dma_wait3A_89 : memref<1x125xi32, #tpu.memory_space<vmem>> -> memref<125xi32, #tpu.memory_space<vmem>>
      %dma_wait3A_91 = arith.constant 0 : i32
      %dma_wait3A_92 = arith.constant 0 : i32
      %dma_wait3A_93 = tpu.memref_slice %arg2[%dma_wait3A_91, %dma_wait3A_92] : memref<20000x64xf32, #tpu.memory_space<hbm>> -> memref<20000x64xf32, #tpu.memory_space<hbm>>
      tpu.wait_indirect_dma semaphore(%arg18 : memref<!tpu.dma_semaphore, #tpu.memory_space<semaphore_mem>>) src(%dma_wait3A_93 : memref<20000x64xf32, #tpu.memory_space<hbm>>) dst(%arg10 : memref<125x64xf32, #tpu.memory_space<vmem>>)
      %dma_start3A_94 = arith.constant 0 : i32
      %dma_start3A_95 = tpu.memref_slice %arg9[%add3A_86, %dma_start3A_94] : memref<160x125xi32, #tpu.memory_space<vmem>> -> memref<1x125xi32, #tpu.memory_space<vmem>>
      %dma_start3A_96 = tpu.memref_squeeze %dma_start3A_95 : memref<1x125xi32, #tpu.memory_space<vmem>> -> memref<125xi32, #tpu.memory_space<vmem>>
      %dma_start3A_97 = arith.constant 0 : i32
      %dma_start3A_98 = arith.constant 0 : i32
      %dma_start3A_99 = tpu.memref_slice %arg16[%dma_start3A_97, %dma_start3A_98] : memref<10112x64xf32, #tpu.memory_space<vmem_shared>> -> memref<10112x64xf32, #tpu.memory_space<vmem_shared>>
      tpu.enqueue_indirect_dma source(%arg10 : memref<125x64xf32, #tpu.memory_space<vmem>>) target(%dma_start3A_99 : memref<10112x64xf32, #tpu.memory_space<vmem_shared>>) offsets(%dma_start3A_96 : memref<125xi32, #tpu.memory_space<vmem>>) semaphore(%arg22 : memref<!tpu.dma_semaphore, #tpu.memory_space<semaphore_mem>>) {add = true}
      %gt3A = arith.constant 0 : i32
      %gt3A_100 = arith.cmpi sgt, %scan3A_81, %gt3A : i32
      %convert_element_type3A_101 = arith.extui %gt3A_100 : i1 to i32
      %cond3A_102 = arith.constant 0 : i32
      %cond3A_103 = arith.cmpi ne, %convert_element_type3A_101, %cond3A_102 : i32
      scf.if %cond3A_103 {
        %dma_wait3A_223 = arith.constant 0 : i32
        %dma_wait3A_224 = arith.constant 0 : i32
        %dma_wait3A_225 = tpu.memref_slice %arg9[%dma_wait3A_223, %dma_wait3A_224] : memref<160x125xi32, #tpu.memory_space<vmem>> -> memref<1x125xi32, #tpu.memory_space<vmem>>
        %dma_wait3A_226 = tpu.memref_squeeze %dma_wait3A_225 : memref<1x125xi32, #tpu.memory_space<vmem>> -> memref<125xi32, #tpu.memory_space<vmem>>
        %dma_wait3A_227 = arith.constant 0 : i32
        %dma_wait3A_228 = arith.constant 0 : i32
        %dma_wait3A_229 = tpu.memref_slice %arg16[%dma_wait3A_227, %dma_wait3A_228] : memref<10112x64xf32, #tpu.memory_space<vmem_shared>> -> memref<10112x64xf32, #tpu.memory_space<vmem_shared>>
        tpu.wait_indirect_dma semaphore(%arg25 : memref<!tpu.dma_semaphore, #tpu.memory_space<semaphore_mem>>) src(%arg13 : memref<125x64xf32, #tpu.memory_space<vmem>>) dst(%dma_wait3A_229 : memref<10112x64xf32, #tpu.memory_space<vmem_shared>>)
      } else {
      }
      %add3A_104 = arith.constant 3 : i32
      %add3A_105 = arith.addi %add3A_86, %add3A_104 : i32
      %dma_start3A_106 = arith.constant 0 : i32
      %dma_start3A_107 = tpu.memref_slice %arg8[%add3A_105, %dma_start3A_106] : memref<160x125xi32, #tpu.memory_space<vmem>> -> memref<1x125xi32, #tpu.memory_space<vmem>>
      %dma_start3A_108 = tpu.memref_squeeze %dma_start3A_107 : memref<1x125xi32, #tpu.memory_space<vmem>> -> memref<125xi32, #tpu.memory_space<vmem>>
      %dma_start3A_109 = arith.constant 0 : i32
      %dma_start3A_110 = arith.constant 0 : i32
      %dma_start3A_111 = tpu.memref_slice %arg2[%dma_start3A_109, %dma_start3A_110] : memref<20000x64xf32, #tpu.memory_space<hbm>> -> memref<20000x64xf32, #tpu.memory_space<hbm>>
      tpu.enqueue_indirect_dma source(%dma_start3A_111 : memref<20000x64xf32, #tpu.memory_space<hbm>>) target(%arg13 : memref<125x64xf32, #tpu.memory_space<vmem>>) offsets(%dma_start3A_108 : memref<125xi32, #tpu.memory_space<vmem>>) semaphore(%arg21 : memref<!tpu.dma_semaphore, #tpu.memory_space<semaphore_mem>>)
      %gt3A_112 = arith.constant 0 : i32
      %gt3A_113 = arith.cmpi sgt, %scan3A_81, %gt3A_112 : i32
      %eq3A_114 = arith.constant 0 : i32
      %eq3A_115 = arith.cmpi eq, %arg0, %eq3A_114 : i32
      %convert_element_type3A_116 = arith.extui %eq3A_115 : i1 to i32
      %cond3A_117 = arith.constant 0 : i32
      %cond3A_118 = arith.cmpi ne, %convert_element_type3A_116, %cond3A_117 : i32
      scf.if %cond3A_118 {
        %convert_element_type3A_223 = arith.extui %gt3A_113 : i1 to i32
        %cond3A_224 = arith.constant 0 : i32
        %cond3A_225 = arith.cmpi ne, %convert_element_type3A_223, %cond3A_224 : i32
        scf.if %cond3A_225 {
          %dma_wait3A_232 = arith.constant 0 : i32
          %dma_wait3A_233 = arith.constant 0 : i32
          %dma_wait3A_234 = tpu.memref_slice %arg9[%dma_wait3A_232, %dma_wait3A_233] : memref<160x125xi32, #tpu.memory_space<vmem>> -> memref<1x125xi32, #tpu.memory_space<vmem>>
          %dma_wait3A_235 = tpu.memref_squeeze %dma_wait3A_234 : memref<1x125xi32, #tpu.memory_space<vmem>> -> memref<125xi32, #tpu.memory_space<vmem>>
          %dma_wait3A_236 = arith.constant 0 : i32
          %dma_wait3A_237 = arith.constant 0 : i32
          %dma_wait3A_238 = tpu.memref_slice %arg17[%dma_wait3A_236, %dma_wait3A_237] : memref<10112x16xf32, #tpu.memory_space<vmem_shared>> -> memref<10112x16xf32, #tpu.memory_space<vmem_shared>>
          tpu.wait_indirect_dma semaphore(%arg26 : memref<!tpu.dma_semaphore, #tpu.memory_space<semaphore_mem>>) src(%arg14 : memref<125x16xf32, #tpu.memory_space<vmem>>) dst(%dma_wait3A_238 : memref<10112x16xf32, #tpu.memory_space<vmem_shared>>)
        } else {
        }
        %dma_start3A_226 = arith.constant 0 : i32
        %dma_start3A_227 = tpu.memref_slice %arg9[%add3A_86, %dma_start3A_226] : memref<160x125xi32, #tpu.memory_space<vmem>> -> memref<1x125xi32, #tpu.memory_space<vmem>>
        %dma_start3A_228 = tpu.memref_squeeze %dma_start3A_227 : memref<1x125xi32, #tpu.memory_space<vmem>> -> memref<125xi32, #tpu.memory_space<vmem>>
        %dma_start3A_229 = arith.constant 0 : i32
        %dma_start3A_230 = arith.constant 0 : i32
        %dma_start3A_231 = tpu.memref_slice %arg17[%dma_start3A_229, %dma_start3A_230] : memref<10112x16xf32, #tpu.memory_space<vmem_shared>> -> memref<10112x16xf32, #tpu.memory_space<vmem_shared>>
        tpu.enqueue_indirect_dma source(%arg14 : memref<125x16xf32, #tpu.memory_space<vmem>>) target(%dma_start3A_231 : memref<10112x16xf32, #tpu.memory_space<vmem_shared>>) offsets(%dma_start3A_228 : memref<125xi32, #tpu.memory_space<vmem>>) semaphore(%arg26 : memref<!tpu.dma_semaphore, #tpu.memory_space<semaphore_mem>>) {add = true}
      } else {
      }
      %mul3A_119 = arith.constant 4 : i32
      %mul3A_120 = arith.muli %mul3A_119, %scan3A_81 : i32
      %add3A_121 = arith.constant 1 : i32
      %add3A_122 = arith.addi %mul3A_120, %add3A_121 : i32
      %dma_wait3A_123 = arith.constant 0 : i32
      %dma_wait3A_124 = arith.constant 0 : i32
      %dma_wait3A_125 = tpu.memref_slice %arg8[%dma_wait3A_123, %dma_wait3A_124] : memref<160x125xi32, #tpu.memory_space<vmem>> -> memref<1x125xi32, #tpu.memory_space<vmem>>
      %dma_wait3A_126 = tpu.memref_squeeze %dma_wait3A_125 : memref<1x125xi32, #tpu.memory_space<vmem>> -> memref<125xi32, #tpu.memory_space<vmem>>
      %dma_wait3A_127 = arith.constant 0 : i32
      %dma_wait3A_128 = arith.constant 0 : i32
      %dma_wait3A_129 = tpu.memref_slice %arg2[%dma_wait3A_127, %dma_wait3A_128] : memref<20000x64xf32, #tpu.memory_space<hbm>> -> memref<20000x64xf32, #tpu.memory_space<hbm>>
      tpu.wait_indirect_dma semaphore(%arg19 : memref<!tpu.dma_semaphore, #tpu.memory_space<semaphore_mem>>) src(%dma_wait3A_129 : memref<20000x64xf32, #tpu.memory_space<hbm>>) dst(%arg11 : memref<125x64xf32, #tpu.memory_space<vmem>>)
      %dma_start3A_130 = arith.constant 0 : i32
      %dma_start3A_131 = tpu.memref_slice %arg9[%add3A_122, %dma_start3A_130] : memref<160x125xi32, #tpu.memory_space<vmem>> -> memref<1x125xi32, #tpu.memory_space<vmem>>
      %dma_start3A_132 = tpu.memref_squeeze %dma_start3A_131 : memref<1x125xi32, #tpu.memory_space<vmem>> -> memref<125xi32, #tpu.memory_space<vmem>>
      %dma_start3A_133 = arith.constant 0 : i32
      %dma_start3A_134 = arith.constant 0 : i32
      %dma_start3A_135 = tpu.memref_slice %arg16[%dma_start3A_133, %dma_start3A_134] : memref<10112x64xf32, #tpu.memory_space<vmem_shared>> -> memref<10112x64xf32, #tpu.memory_space<vmem_shared>>
      tpu.enqueue_indirect_dma source(%arg11 : memref<125x64xf32, #tpu.memory_space<vmem>>) target(%dma_start3A_135 : memref<10112x64xf32, #tpu.memory_space<vmem_shared>>) offsets(%dma_start3A_132 : memref<125xi32, #tpu.memory_space<vmem>>) semaphore(%arg23 : memref<!tpu.dma_semaphore, #tpu.memory_space<semaphore_mem>>) {add = true}
      %dma_wait3A_136 = arith.constant 0 : i32
      %dma_wait3A_137 = arith.constant 0 : i32
      %dma_wait3A_138 = tpu.memref_slice %arg9[%dma_wait3A_136, %dma_wait3A_137] : memref<160x125xi32, #tpu.memory_space<vmem>> -> memref<1x125xi32, #tpu.memory_space<vmem>>
      %dma_wait3A_139 = tpu.memref_squeeze %dma_wait3A_138 : memref<1x125xi32, #tpu.memory_space<vmem>> -> memref<125xi32, #tpu.memory_space<vmem>>
      %dma_wait3A_140 = arith.constant 0 : i32
      %dma_wait3A_141 = arith.constant 0 : i32
      %dma_wait3A_142 = tpu.memref_slice %arg16[%dma_wait3A_140, %dma_wait3A_141] : memref<10112x64xf32, #tpu.memory_space<vmem_shared>> -> memref<10112x64xf32, #tpu.memory_space<vmem_shared>>
      tpu.wait_indirect_dma semaphore(%arg22 : memref<!tpu.dma_semaphore, #tpu.memory_space<semaphore_mem>>) src(%arg10 : memref<125x64xf32, #tpu.memory_space<vmem>>) dst(%dma_wait3A_142 : memref<10112x64xf32, #tpu.memory_space<vmem_shared>>)
      %lt3A = arith.constant 39 : i32
      %lt3A_143 = arith.cmpi slt, %scan3A_81, %lt3A : i32
      %convert_element_type3A_144 = arith.extui %lt3A_143 : i1 to i32
      %cond3A_145 = arith.constant 0 : i32
      %cond3A_146 = arith.cmpi ne, %convert_element_type3A_144, %cond3A_145 : i32
      scf.if %cond3A_146 {
        %add3A_223 = arith.constant 3 : i32
        %add3A_224 = arith.addi %add3A_122, %add3A_223 : i32
        %dma_start3A_225 = arith.constant 0 : i32
        %dma_start3A_226 = tpu.memref_slice %arg8[%add3A_224, %dma_start3A_225] : memref<160x125xi32, #tpu.memory_space<vmem>> -> memref<1x125xi32, #tpu.memory_space<vmem>>
        %dma_start3A_227 = tpu.memref_squeeze %dma_start3A_226 : memref<1x125xi32, #tpu.memory_space<vmem>> -> memref<125xi32, #tpu.memory_space<vmem>>
        %dma_start3A_228 = arith.constant 0 : i32
        %dma_start3A_229 = arith.constant 0 : i32
        %dma_start3A_230 = tpu.memref_slice %arg2[%dma_start3A_228, %dma_start3A_229] : memref<20000x64xf32, #tpu.memory_space<hbm>> -> memref<20000x64xf32, #tpu.memory_space<hbm>>
        tpu.enqueue_indirect_dma source(%dma_start3A_230 : memref<20000x64xf32, #tpu.memory_space<hbm>>) target(%arg10 : memref<125x64xf32, #tpu.memory_space<vmem>>) offsets(%dma_start3A_227 : memref<125xi32, #tpu.memory_space<vmem>>) semaphore(%arg18 : memref<!tpu.dma_semaphore, #tpu.memory_space<semaphore_mem>>)
      } else {
      }
      %gt3A_147 = arith.constant 0 : i32
      %gt3A_148 = arith.cmpi sgt, %scan3A_81, %gt3A_147 : i32
      %eq3A_149 = arith.constant 0 : i32
      %eq3A_150 = arith.cmpi eq, %arg0, %eq3A_149 : i32
      %convert_element_type3A_151 = arith.extui %eq3A_150 : i1 to i32
      %cond3A_152 = arith.constant 0 : i32
      %cond3A_153 = arith.cmpi ne, %convert_element_type3A_151, %cond3A_152 : i32
      scf.if %cond3A_153 {
        %convert_element_type3A_223 = arith.extui %gt3A_148 : i1 to i32
        %cond3A_224 = arith.constant 0 : i32
        %cond3A_225 = arith.cmpi ne, %convert_element_type3A_223, %cond3A_224 : i32
        scf.if %cond3A_225 {
          %dma_wait3A_232 = arith.constant 0 : i32
          %dma_wait3A_233 = arith.constant 0 : i32
          %dma_wait3A_234 = tpu.memref_slice %arg9[%dma_wait3A_232, %dma_wait3A_233] : memref<160x125xi32, #tpu.memory_space<vmem>> -> memref<1x125xi32, #tpu.memory_space<vmem>>
          %dma_wait3A_235 = tpu.memref_squeeze %dma_wait3A_234 : memref<1x125xi32, #tpu.memory_space<vmem>> -> memref<125xi32, #tpu.memory_space<vmem>>
          %dma_wait3A_236 = arith.constant 0 : i32
          %dma_wait3A_237 = arith.constant 0 : i32
          %dma_wait3A_238 = tpu.memref_slice %arg17[%dma_wait3A_236, %dma_wait3A_237] : memref<10112x16xf32, #tpu.memory_space<vmem_shared>> -> memref<10112x16xf32, #tpu.memory_space<vmem_shared>>
          tpu.wait_indirect_dma semaphore(%arg27 : memref<!tpu.dma_semaphore, #tpu.memory_space<semaphore_mem>>) src(%arg14 : memref<125x16xf32, #tpu.memory_space<vmem>>) dst(%dma_wait3A_238 : memref<10112x16xf32, #tpu.memory_space<vmem_shared>>)
        } else {
        }
        %dma_start3A_226 = arith.constant 0 : i32
        %dma_start3A_227 = tpu.memref_slice %arg9[%add3A_122, %dma_start3A_226] : memref<160x125xi32, #tpu.memory_space<vmem>> -> memref<1x125xi32, #tpu.memory_space<vmem>>
        %dma_start3A_228 = tpu.memref_squeeze %dma_start3A_227 : memref<1x125xi32, #tpu.memory_space<vmem>> -> memref<125xi32, #tpu.memory_space<vmem>>
        %dma_start3A_229 = arith.constant 0 : i32
        %dma_start3A_230 = arith.constant 0 : i32
        %dma_start3A_231 = tpu.memref_slice %arg17[%dma_start3A_229, %dma_start3A_230] : memref<10112x16xf32, #tpu.memory_space<vmem_shared>> -> memref<10112x16xf32, #tpu.memory_space<vmem_shared>>
        tpu.enqueue_indirect_dma source(%arg14 : memref<125x16xf32, #tpu.memory_space<vmem>>) target(%dma_start3A_231 : memref<10112x16xf32, #tpu.memory_space<vmem_shared>>) offsets(%dma_start3A_228 : memref<125xi32, #tpu.memory_space<vmem>>) semaphore(%arg27 : memref<!tpu.dma_semaphore, #tpu.memory_space<semaphore_mem>>) {add = true}
      } else {
      }
      %mul3A_154 = arith.constant 4 : i32
      %mul3A_155 = arith.muli %mul3A_154, %scan3A_81 : i32
      %add3A_156 = arith.constant 2 : i32
      %add3A_157 = arith.addi %mul3A_155, %add3A_156 : i32
      %dma_wait3A_158 = arith.constant 0 : i32
      %dma_wait3A_159 = arith.constant 0 : i32
      %dma_wait3A_160 = tpu.memref_slice %arg8[%dma_wait3A_158, %dma_wait3A_159] : memref<160x125xi32, #tpu.memory_space<vmem>> -> memref<1x125xi32, #tpu.memory_space<vmem>>
      %dma_wait3A_161 = tpu.memref_squeeze %dma_wait3A_160 : memref<1x125xi32, #tpu.memory_space<vmem>> -> memref<125xi32, #tpu.memory_space<vmem>>
      %dma_wait3A_162 = arith.constant 0 : i32
      %dma_wait3A_163 = arith.constant 0 : i32
      %dma_wait3A_164 = tpu.memref_slice %arg2[%dma_wait3A_162, %dma_wait3A_163] : memref<20000x64xf32, #tpu.memory_space<hbm>> -> memref<20000x64xf32, #tpu.memory_space<hbm>>
      tpu.wait_indirect_dma semaphore(%arg20 : memref<!tpu.dma_semaphore, #tpu.memory_space<semaphore_mem>>) src(%dma_wait3A_164 : memref<20000x64xf32, #tpu.memory_space<hbm>>) dst(%arg12 : memref<125x64xf32, #tpu.memory_space<vmem>>)
      %dma_start3A_165 = arith.constant 0 : i32
      %dma_start3A_166 = tpu.memref_slice %arg9[%add3A_157, %dma_start3A_165] : memref<160x125xi32, #tpu.memory_space<vmem>> -> memref<1x125xi32, #tpu.memory_space<vmem>>
      %dma_start3A_167 = tpu.memref_squeeze %dma_start3A_166 : memref<1x125xi32, #tpu.memory_space<vmem>> -> memref<125xi32, #tpu.memory_space<vmem>>
      %dma_start3A_168 = arith.constant 0 : i32
      %dma_start3A_169 = arith.constant 0 : i32
      %dma_start3A_170 = tpu.memref_slice %arg16[%dma_start3A_168, %dma_start3A_169] : memref<10112x64xf32, #tpu.memory_space<vmem_shared>> -> memref<10112x64xf32, #tpu.memory_space<vmem_shared>>
      tpu.enqueue_indirect_dma source(%arg12 : memref<125x64xf32, #tpu.memory_space<vmem>>) target(%dma_start3A_170 : memref<10112x64xf32, #tpu.memory_space<vmem_shared>>) offsets(%dma_start3A_167 : memref<125xi32, #tpu.memory_space<vmem>>) semaphore(%arg24 : memref<!tpu.dma_semaphore, #tpu.memory_space<semaphore_mem>>) {add = true}
      %dma_wait3A_171 = arith.constant 0 : i32
      %dma_wait3A_172 = arith.constant 0 : i32
      %dma_wait3A_173 = tpu.memref_slice %arg9[%dma_wait3A_171, %dma_wait3A_172] : memref<160x125xi32, #tpu.memory_space<vmem>> -> memref<1x125xi32, #tpu.memory_space<vmem>>
      %dma_wait3A_174 = tpu.memref_squeeze %dma_wait3A_173 : memref<1x125xi32, #tpu.memory_space<vmem>> -> memref<125xi32, #tpu.memory_space<vmem>>
      %dma_wait3A_175 = arith.constant 0 : i32
      %dma_wait3A_176 = arith.constant 0 : i32
      %dma_wait3A_177 = tpu.memref_slice %arg16[%dma_wait3A_175, %dma_wait3A_176] : memref<10112x64xf32, #tpu.memory_space<vmem_shared>> -> memref<10112x64xf32, #tpu.memory_space<vmem_shared>>
      tpu.wait_indirect_dma semaphore(%arg23 : memref<!tpu.dma_semaphore, #tpu.memory_space<semaphore_mem>>) src(%arg11 : memref<125x64xf32, #tpu.memory_space<vmem>>) dst(%dma_wait3A_177 : memref<10112x64xf32, #tpu.memory_space<vmem_shared>>)
      %lt3A_178 = arith.constant 39 : i32
      %lt3A_179 = arith.cmpi slt, %scan3A_81, %lt3A_178 : i32
      %convert_element_type3A_180 = arith.extui %lt3A_179 : i1 to i32
      %cond3A_181 = arith.constant 0 : i32
      %cond3A_182 = arith.cmpi ne, %convert_element_type3A_180, %cond3A_181 : i32
      scf.if %cond3A_182 {
        %add3A_223 = arith.constant 3 : i32
        %add3A_224 = arith.addi %add3A_157, %add3A_223 : i32
        %dma_start3A_225 = arith.constant 0 : i32
        %dma_start3A_226 = tpu.memref_slice %arg8[%add3A_224, %dma_start3A_225] : memref<160x125xi32, #tpu.memory_space<vmem>> -> memref<1x125xi32, #tpu.memory_space<vmem>>
        %dma_start3A_227 = tpu.memref_squeeze %dma_start3A_226 : memref<1x125xi32, #tpu.memory_space<vmem>> -> memref<125xi32, #tpu.memory_space<vmem>>
        %dma_start3A_228 = arith.constant 0 : i32
        %dma_start3A_229 = arith.constant 0 : i32
        %dma_start3A_230 = tpu.memref_slice %arg2[%dma_start3A_228, %dma_start3A_229] : memref<20000x64xf32, #tpu.memory_space<hbm>> -> memref<20000x64xf32, #tpu.memory_space<hbm>>
        tpu.enqueue_indirect_dma source(%dma_start3A_230 : memref<20000x64xf32, #tpu.memory_space<hbm>>) target(%arg11 : memref<125x64xf32, #tpu.memory_space<vmem>>) offsets(%dma_start3A_227 : memref<125xi32, #tpu.memory_space<vmem>>) semaphore(%arg19 : memref<!tpu.dma_semaphore, #tpu.memory_space<semaphore_mem>>)
      } else {
      }
      %eq3A_183 = arith.constant 0 : i32
      %eq3A_184 = arith.cmpi eq, %arg0, %eq3A_183 : i32
      %convert_element_type3A_185 = arith.extui %eq3A_184 : i1 to i32
      %cond3A_186 = arith.constant 0 : i32
      %cond3A_187 = arith.cmpi ne, %convert_element_type3A_185, %cond3A_186 : i32
      scf.if %cond3A_187 {
        %dma_wait3A_223 = arith.constant 0 : i32
        %dma_wait3A_224 = arith.constant 0 : i32
        %dma_wait3A_225 = tpu.memref_slice %arg9[%dma_wait3A_223, %dma_wait3A_224] : memref<160x125xi32, #tpu.memory_space<vmem>> -> memref<1x125xi32, #tpu.memory_space<vmem>>
        %dma_wait3A_226 = tpu.memref_squeeze %dma_wait3A_225 : memref<1x125xi32, #tpu.memory_space<vmem>> -> memref<125xi32, #tpu.memory_space<vmem>>
        %dma_wait3A_227 = arith.constant 0 : i32
        %dma_wait3A_228 = arith.constant 0 : i32
        %dma_wait3A_229 = tpu.memref_slice %arg17[%dma_wait3A_227, %dma_wait3A_228] : memref<10112x16xf32, #tpu.memory_space<vmem_shared>> -> memref<10112x16xf32, #tpu.memory_space<vmem_shared>>
        tpu.wait_indirect_dma semaphore(%arg26 : memref<!tpu.dma_semaphore, #tpu.memory_space<semaphore_mem>>) src(%arg14 : memref<125x16xf32, #tpu.memory_space<vmem>>) dst(%dma_wait3A_229 : memref<10112x16xf32, #tpu.memory_space<vmem_shared>>)
        %dma_start3A_230 = arith.constant 0 : i32
        %dma_start3A_231 = tpu.memref_slice %arg9[%add3A_157, %dma_start3A_230] : memref<160x125xi32, #tpu.memory_space<vmem>> -> memref<1x125xi32, #tpu.memory_space<vmem>>
        %dma_start3A_232 = tpu.memref_squeeze %dma_start3A_231 : memref<1x125xi32, #tpu.memory_space<vmem>> -> memref<125xi32, #tpu.memory_space<vmem>>
        %dma_start3A_233 = arith.constant 0 : i32
        %dma_start3A_234 = arith.constant 0 : i32
        %dma_start3A_235 = tpu.memref_slice %arg17[%dma_start3A_233, %dma_start3A_234] : memref<10112x16xf32, #tpu.memory_space<vmem_shared>> -> memref<10112x16xf32, #tpu.memory_space<vmem_shared>>
        tpu.enqueue_indirect_dma source(%arg14 : memref<125x16xf32, #tpu.memory_space<vmem>>) target(%dma_start3A_235 : memref<10112x16xf32, #tpu.memory_space<vmem_shared>>) offsets(%dma_start3A_232 : memref<125xi32, #tpu.memory_space<vmem>>) semaphore(%arg26 : memref<!tpu.dma_semaphore, #tpu.memory_space<semaphore_mem>>) {add = true}
      } else {
      }
      %mul3A_188 = arith.constant 4 : i32
      %mul3A_189 = arith.muli %mul3A_188, %scan3A_81 : i32
      %add3A_190 = arith.constant 3 : i32
      %add3A_191 = arith.addi %mul3A_189, %add3A_190 : i32
      %dma_wait3A_192 = arith.constant 0 : i32
      %dma_wait3A_193 = arith.constant 0 : i32
      %dma_wait3A_194 = tpu.memref_slice %arg8[%dma_wait3A_192, %dma_wait3A_193] : memref<160x125xi32, #tpu.memory_space<vmem>> -> memref<1x125xi32, #tpu.memory_space<vmem>>
      %dma_wait3A_195 = tpu.memref_squeeze %dma_wait3A_194 : memref<1x125xi32, #tpu.memory_space<vmem>> -> memref<125xi32, #tpu.memory_space<vmem>>
      %dma_wait3A_196 = arith.constant 0 : i32
      %dma_wait3A_197 = arith.constant 0 : i32
      %dma_wait3A_198 = tpu.memref_slice %arg2[%dma_wait3A_196, %dma_wait3A_197] : memref<20000x64xf32, #tpu.memory_space<hbm>> -> memref<20000x64xf32, #tpu.memory_space<hbm>>
      tpu.wait_indirect_dma semaphore(%arg21 : memref<!tpu.dma_semaphore, #tpu.memory_space<semaphore_mem>>) src(%dma_wait3A_198 : memref<20000x64xf32, #tpu.memory_space<hbm>>) dst(%arg13 : memref<125x64xf32, #tpu.memory_space<vmem>>)
      %dma_start3A_199 = arith.constant 0 : i32
      %dma_start3A_200 = tpu.memref_slice %arg9[%add3A_191, %dma_start3A_199] : memref<160x125xi32, #tpu.memory_space<vmem>> -> memref<1x125xi32, #tpu.memory_space<vmem>>
      %dma_start3A_201 = tpu.memref_squeeze %dma_start3A_200 : memref<1x125xi32, #tpu.memory_space<vmem>> -> memref<125xi32, #tpu.memory_space<vmem>>
      %dma_start3A_202 = arith.constant 0 : i32
      %dma_start3A_203 = arith.constant 0 : i32
      %dma_start3A_204 = tpu.memref_slice %arg16[%dma_start3A_202, %dma_start3A_203] : memref<10112x64xf32, #tpu.memory_space<vmem_shared>> -> memref<10112x64xf32, #tpu.memory_space<vmem_shared>>
      tpu.enqueue_indirect_dma source(%arg13 : memref<125x64xf32, #tpu.memory_space<vmem>>) target(%dma_start3A_204 : memref<10112x64xf32, #tpu.memory_space<vmem_shared>>) offsets(%dma_start3A_201 : memref<125xi32, #tpu.memory_space<vmem>>) semaphore(%arg25 : memref<!tpu.dma_semaphore, #tpu.memory_space<semaphore_mem>>) {add = true}
      %dma_wait3A_205 = arith.constant 0 : i32
      %dma_wait3A_206 = arith.constant 0 : i32
      %dma_wait3A_207 = tpu.memref_slice %arg9[%dma_wait3A_205, %dma_wait3A_206] : memref<160x125xi32, #tpu.memory_space<vmem>> -> memref<1x125xi32, #tpu.memory_space<vmem>>
      %dma_wait3A_208 = tpu.memref_squeeze %dma_wait3A_207 : memref<1x125xi32, #tpu.memory_space<vmem>> -> memref<125xi32, #tpu.memory_space<vmem>>
      %dma_wait3A_209 = arith.constant 0 : i32
      %dma_wait3A_210 = arith.constant 0 : i32
      %dma_wait3A_211 = tpu.memref_slice %arg16[%dma_wait3A_209, %dma_wait3A_210] : memref<10112x64xf32, #tpu.memory_space<vmem_shared>> -> memref<10112x64xf32, #tpu.memory_space<vmem_shared>>
      tpu.wait_indirect_dma semaphore(%arg24 : memref<!tpu.dma_semaphore, #tpu.memory_space<semaphore_mem>>) src(%arg12 : memref<125x64xf32, #tpu.memory_space<vmem>>) dst(%dma_wait3A_211 : memref<10112x64xf32, #tpu.memory_space<vmem_shared>>)
      %lt3A_212 = arith.constant 39 : i32
      %lt3A_213 = arith.cmpi slt, %scan3A_81, %lt3A_212 : i32
      %convert_element_type3A_214 = arith.extui %lt3A_213 : i1 to i32
      %cond3A_215 = arith.constant 0 : i32
      %cond3A_216 = arith.cmpi ne, %convert_element_type3A_214, %cond3A_215 : i32
      scf.if %cond3A_216 {
        %add3A_223 = arith.constant 3 : i32
        %add3A_224 = arith.addi %add3A_191, %add3A_223 : i32
        %dma_start3A_225 = arith.constant 0 : i32
        %dma_start3A_226 = tpu.memref_slice %arg8[%add3A_224, %dma_start3A_225] : memref<160x125xi32, #tpu.memory_space<vmem>> -> memref<1x125xi32, #tpu.memory_space<vmem>>
        %dma_start3A_227 = tpu.memref_squeeze %dma_start3A_226 : memref<1x125xi32, #tpu.memory_space<vmem>> -> memref<125xi32, #tpu.memory_space<vmem>>
        %dma_start3A_228 = arith.constant 0 : i32
        %dma_start3A_229 = arith.constant 0 : i32
        %dma_start3A_230 = tpu.memref_slice %arg2[%dma_start3A_228, %dma_start3A_229] : memref<20000x64xf32, #tpu.memory_space<hbm>> -> memref<20000x64xf32, #tpu.memory_space<hbm>>
        tpu.enqueue_indirect_dma source(%dma_start3A_230 : memref<20000x64xf32, #tpu.memory_space<hbm>>) target(%arg12 : memref<125x64xf32, #tpu.memory_space<vmem>>) offsets(%dma_start3A_227 : memref<125xi32, #tpu.memory_space<vmem>>) semaphore(%arg20 : memref<!tpu.dma_semaphore, #tpu.memory_space<semaphore_mem>>)
      } else {
      }
      %eq3A_217 = arith.constant 0 : i32
      %eq3A_218 = arith.cmpi eq, %arg0, %eq3A_217 : i32
      %convert_element_type3A_219 = arith.extui %eq3A_218 : i1 to i32
      %cond3A_220 = arith.constant 0 : i32
      %cond3A_221 = arith.cmpi ne, %convert_element_type3A_219, %cond3A_220 : i32
      scf.if %cond3A_221 {
        %dma_wait3A_223 = arith.constant 0 : i32
        %dma_wait3A_224 = arith.constant 0 : i32
        %dma_wait3A_225 = tpu.memref_slice %arg9[%dma_wait3A_223, %dma_wait3A_224] : memref<160x125xi32, #tpu.memory_space<vmem>> -> memref<1x125xi32, #tpu.memory_space<vmem>>
        %dma_wait3A_226 = tpu.memref_squeeze %dma_wait3A_225 : memref<1x125xi32, #tpu.memory_space<vmem>> -> memref<125xi32, #tpu.memory_space<vmem>>
        %dma_wait3A_227 = arith.constant 0 : i32
        %dma_wait3A_228 = arith.constant 0 : i32
        %dma_wait3A_229 = tpu.memref_slice %arg17[%dma_wait3A_227, %dma_wait3A_228] : memref<10112x16xf32, #tpu.memory_space<vmem_shared>> -> memref<10112x16xf32, #tpu.memory_space<vmem_shared>>
        tpu.wait_indirect_dma semaphore(%arg27 : memref<!tpu.dma_semaphore, #tpu.memory_space<semaphore_mem>>) src(%arg14 : memref<125x16xf32, #tpu.memory_space<vmem>>) dst(%dma_wait3A_229 : memref<10112x16xf32, #tpu.memory_space<vmem_shared>>)
        %dma_start3A_230 = arith.constant 0 : i32
        %dma_start3A_231 = tpu.memref_slice %arg9[%add3A_191, %dma_start3A_230] : memref<160x125xi32, #tpu.memory_space<vmem>> -> memref<1x125xi32, #tpu.memory_space<vmem>>
        %dma_start3A_232 = tpu.memref_squeeze %dma_start3A_231 : memref<1x125xi32, #tpu.memory_space<vmem>> -> memref<125xi32, #tpu.memory_space<vmem>>
        %dma_start3A_233 = arith.constant 0 : i32
        %dma_start3A_234 = arith.constant 0 : i32
        %dma_start3A_235 = tpu.memref_slice %arg17[%dma_start3A_233, %dma_start3A_234] : memref<10112x16xf32, #tpu.memory_space<vmem_shared>> -> memref<10112x16xf32, #tpu.memory_space<vmem_shared>>
        tpu.enqueue_indirect_dma source(%arg14 : memref<125x16xf32, #tpu.memory_space<vmem>>) target(%dma_start3A_235 : memref<10112x16xf32, #tpu.memory_space<vmem_shared>>) offsets(%dma_start3A_232 : memref<125xi32, #tpu.memory_space<vmem>>) semaphore(%arg27 : memref<!tpu.dma_semaphore, #tpu.memory_space<semaphore_mem>>) {add = true}
      } else {
      }
      %scan3A_222 = arith.constant 0 : i32
      scf.yield %scan3A_222 : i32
    }
    %scan3A_63 = arith.constant 40 : i32
    %dma_wait3A = arith.constant 0 : i32
    %dma_wait3A_64 = arith.constant 0 : i32
    %dma_wait3A_65 = tpu.memref_slice %arg9[%dma_wait3A, %dma_wait3A_64] : memref<160x125xi32, #tpu.memory_space<vmem>> -> memref<1x125xi32, #tpu.memory_space<vmem>>
    %dma_wait3A_66 = tpu.memref_squeeze %dma_wait3A_65 : memref<1x125xi32, #tpu.memory_space<vmem>> -> memref<125xi32, #tpu.memory_space<vmem>>
    %dma_wait3A_67 = arith.constant 0 : i32
    %dma_wait3A_68 = arith.constant 0 : i32
    %dma_wait3A_69 = tpu.memref_slice %arg16[%dma_wait3A_67, %dma_wait3A_68] : memref<10112x64xf32, #tpu.memory_space<vmem_shared>> -> memref<10112x64xf32, #tpu.memory_space<vmem_shared>>
    tpu.wait_indirect_dma semaphore(%arg25 : memref<!tpu.dma_semaphore, #tpu.memory_space<semaphore_mem>>) src(%arg13 : memref<125x64xf32, #tpu.memory_space<vmem>>) dst(%dma_wait3A_69 : memref<10112x64xf32, #tpu.memory_space<vmem_shared>>)
    %eq3A_70 = arith.constant 0 : i32
    %eq3A_71 = arith.cmpi eq, %arg0, %eq3A_70 : i32
    %convert_element_type3A_72 = arith.extui %eq3A_71 : i1 to i32
    %cond3A_73 = arith.constant 0 : i32
    %cond3A_74 = arith.cmpi ne, %convert_element_type3A_72, %cond3A_73 : i32
    scf.if %cond3A_74 {
      %dma_wait3A_81 = arith.constant 0 : i32
      %dma_wait3A_82 = arith.constant 0 : i32
      %dma_wait3A_83 = tpu.memref_slice %arg9[%dma_wait3A_81, %dma_wait3A_82] : memref<160x125xi32, #tpu.memory_space<vmem>> -> memref<1x125xi32, #tpu.memory_space<vmem>>
      %dma_wait3A_84 = tpu.memref_squeeze %dma_wait3A_83 : memref<1x125xi32, #tpu.memory_space<vmem>> -> memref<125xi32, #tpu.memory_space<vmem>>
      %dma_wait3A_85 = arith.constant 0 : i32
      %dma_wait3A_86 = arith.constant 0 : i32
      %dma_wait3A_87 = tpu.memref_slice %arg17[%dma_wait3A_85, %dma_wait3A_86] : memref<10112x16xf32, #tpu.memory_space<vmem_shared>> -> memref<10112x16xf32, #tpu.memory_space<vmem_shared>>
      tpu.wait_indirect_dma semaphore(%arg26 : memref<!tpu.dma_semaphore, #tpu.memory_space<semaphore_mem>>) src(%arg14 : memref<125x16xf32, #tpu.memory_space<vmem>>) dst(%dma_wait3A_87 : memref<10112x16xf32, #tpu.memory_space<vmem_shared>>)
      %dma_wait3A_88 = arith.constant 0 : i32
      %dma_wait3A_89 = arith.constant 0 : i32
      %dma_wait3A_90 = tpu.memref_slice %arg9[%dma_wait3A_88, %dma_wait3A_89] : memref<160x125xi32, #tpu.memory_space<vmem>> -> memref<1x125xi32, #tpu.memory_space<vmem>>
      %dma_wait3A_91 = tpu.memref_squeeze %dma_wait3A_90 : memref<1x125xi32, #tpu.memory_space<vmem>> -> memref<125xi32, #tpu.memory_space<vmem>>
      %dma_wait3A_92 = arith.constant 0 : i32
      %dma_wait3A_93 = arith.constant 0 : i32
      %dma_wait3A_94 = tpu.memref_slice %arg17[%dma_wait3A_92, %dma_wait3A_93] : memref<10112x16xf32, #tpu.memory_space<vmem_shared>> -> memref<10112x16xf32, #tpu.memory_space<vmem_shared>>
      tpu.wait_indirect_dma semaphore(%arg27 : memref<!tpu.dma_semaphore, #tpu.memory_space<semaphore_mem>>) src(%arg14 : memref<125x16xf32, #tpu.memory_space<vmem>>) dst(%dma_wait3A_94 : memref<10112x16xf32, #tpu.memory_space<vmem_shared>>)
    } else {
    }
    %barrier3A_75 = arith.constant 0 : index
    tpu.barrier barrier_id(%barrier3A_75)
    "tpu.region"() ({
      %run_scoped3A = tpu.sem_alloc : memref<!tpu.dma_semaphore, #tpu.memory_space<semaphore_mem>>
      %dma_start3A_81 = arith.constant 0 : i32
      %dma_start3A_82 = tpu.memref_slice %arg6[%arg0, %mul3A_13, %dma_start3A_81] : memref<2x10112x64xf32, #tpu.memory_space<hbm>> -> memref<1x632x64xf32, #tpu.memory_space<hbm>>
      %dma_start3A_83 = tpu.memref_squeeze %dma_start3A_82 : memref<1x632x64xf32, #tpu.memory_space<hbm>> -> memref<632x64xf32, #tpu.memory_space<hbm>>
      %dma_start3A_84 = arith.constant 0 : i32
      %dma_start3A_85 = tpu.memref_slice %arg16[%mul3A_13, %dma_start3A_84] : memref<10112x64xf32, #tpu.memory_space<vmem_shared>> -> memref<632x64xf32, #tpu.memory_space<vmem_shared>>
      tpu.enqueue_dma source(%dma_start3A_85 : memref<632x64xf32, #tpu.memory_space<vmem_shared>>) target(%dma_start3A_83 : memref<632x64xf32, #tpu.memory_space<hbm>>) target_semaphore(%run_scoped3A : memref<!tpu.dma_semaphore, #tpu.memory_space<semaphore_mem>>)
      %dma_wait3A_86 = arith.constant 0 : i32
      %dma_wait3A_87 = tpu.memref_slice %arg6[%arg0, %mul3A_13, %dma_wait3A_86] : memref<2x10112x64xf32, #tpu.memory_space<hbm>> -> memref<1x632x64xf32, #tpu.memory_space<hbm>>
      %dma_wait3A_88 = tpu.memref_squeeze %dma_wait3A_87 : memref<1x632x64xf32, #tpu.memory_space<hbm>> -> memref<632x64xf32, #tpu.memory_space<hbm>>
      %dma_wait3A_89 = arith.constant 0 : i32
      %dma_wait3A_90 = tpu.memref_slice %arg16[%mul3A_13, %dma_wait3A_89] : memref<10112x64xf32, #tpu.memory_space<vmem_shared>> -> memref<632x64xf32, #tpu.memory_space<vmem_shared>>
      tpu.wait_dma2 semaphore(%run_scoped3A : memref<!tpu.dma_semaphore, #tpu.memory_space<semaphore_mem>>) src(%dma_wait3A_90 : memref<632x64xf32, #tpu.memory_space<vmem_shared>>) dst(%dma_wait3A_88 : memref<632x64xf32, #tpu.memory_space<hbm>>)
      tpu.yield
    }) : () -> ()
    %eq3A_76 = arith.constant 0 : i32
    %eq3A_77 = arith.cmpi eq, %arg0, %eq3A_76 : i32
    %convert_element_type3A_78 = arith.extui %eq3A_77 : i1 to i32
    %cond3A_79 = arith.constant 0 : i32
    %cond3A_80 = arith.cmpi ne, %convert_element_type3A_78, %cond3A_79 : i32
    scf.if %cond3A_80 {
      "tpu.region"() ({
        %run_scoped3A = tpu.sem_alloc : memref<!tpu.dma_semaphore, #tpu.memory_space<semaphore_mem>>
        %dma_start3A_81 = arith.constant 0 : i32
        %dma_start3A_82 = tpu.memref_slice %arg7[%mul3A_13, %dma_start3A_81] : memref<10112x16xf32, #tpu.memory_space<hbm>> -> memref<632x16xf32, #tpu.memory_space<hbm>>
        %dma_start3A_83 = arith.constant 0 : i32
        %dma_start3A_84 = tpu.memref_slice %arg17[%mul3A_13, %dma_start3A_83] : memref<10112x16xf32, #tpu.memory_space<vmem_shared>> -> memref<632x16xf32, #tpu.memory_space<vmem_shared>>
        tpu.enqueue_dma source(%dma_start3A_84 : memref<632x16xf32, #tpu.memory_space<vmem_shared>>) target(%dma_start3A_82 : memref<632x16xf32, #tpu.memory_space<hbm>>) target_semaphore(%run_scoped3A : memref<!tpu.dma_semaphore, #tpu.memory_space<semaphore_mem>>)
        %dma_wait3A_85 = arith.constant 0 : i32
        %dma_wait3A_86 = tpu.memref_slice %arg7[%mul3A_13, %dma_wait3A_85] : memref<10112x16xf32, #tpu.memory_space<hbm>> -> memref<632x16xf32, #tpu.memory_space<hbm>>
        %dma_wait3A_87 = arith.constant 0 : i32
        %dma_wait3A_88 = tpu.memref_slice %arg17[%mul3A_13, %dma_wait3A_87] : memref<10112x16xf32, #tpu.memory_space<vmem_shared>> -> memref<632x16xf32, #tpu.memory_space<vmem_shared>>
        tpu.wait_dma2 semaphore(%run_scoped3A : memref<!tpu.dma_semaphore, #tpu.memory_space<semaphore_mem>>) src(%dma_wait3A_88 : memref<632x16xf32, #tpu.memory_space<vmem_shared>>) dst(%dma_wait3A_86 : memref<632x16xf32, #tpu.memory_space<hbm>>)
        tpu.yield
      }) : () -> ()
    } else {
    }
    return
  }
}

#map = affine_map<(d0, d1) -> (0, 0)>
#map1 = affine_map<(d0, d1) -> (0, 0, 0)>
module attributes {stable_mosaic.version = 14 : i64} {
  func.func @agg_kernel(%arg0: i32, %arg1: i32, %arg2: memref<20000x64xf32, #tpu.memory_space<hbm>>, %arg3: memref<16x160x125xi32, #tpu.memory_space<hbm>>, %arg4: memref<16x160x125xi32, #tpu.memory_space<hbm>>, %arg5: memref<16x160x125xi32, #tpu.memory_space<hbm>>, %arg6: memref<2x10112x64xf32, #tpu.memory_space<hbm>>, %arg7: memref<10112x16xf32, #tpu.memory_space<hbm>>, %arg8: memref<160x125xi32, #tpu.memory_space<vmem>>, %arg9: memref<160x125xi32, #tpu.memory_space<vmem>>, %arg10: memref<125x64xf32, #tpu.memory_space<vmem>>, %arg11: memref<125x64xf32, #tpu.memory_space<vmem>>, %arg12: memref<125x64xf32, #tpu.memory_space<vmem>>, %arg13: memref<125x64xf32, #tpu.memory_space<vmem>>, %arg14: memref<125x16xf32, #tpu.memory_space<vmem>>, %arg15: memref<125x16xf32, #tpu.memory_space<vmem>>, %arg16: memref<10112x64xf32, #tpu.memory_space<vmem_shared>>, %arg17: memref<10112x16xf32, #tpu.memory_space<vmem_shared>>, %arg18: memref<!tpu.dma_semaphore, #tpu.memory_space<semaphore_mem>>, %arg19: memref<!tpu.dma_semaphore, #tpu.memory_space<semaphore_mem>>, %arg20: memref<!tpu.dma_semaphore, #tpu.memory_space<semaphore_mem>>, %arg21: memref<!tpu.dma_semaphore, #tpu.memory_space<semaphore_mem>>, %arg22: memref<!tpu.dma_semaphore, #tpu.memory_space<semaphore_mem>>, %arg23: memref<!tpu.dma_semaphore, #tpu.memory_space<semaphore_mem>>, %arg24: memref<!tpu.dma_semaphore, #tpu.memory_space<semaphore_mem>>, %arg25: memref<!tpu.dma_semaphore, #tpu.memory_space<semaphore_mem>>, %arg26: memref<!tpu.dma_semaphore, #tpu.memory_space<semaphore_mem>>, %arg27: memref<!tpu.dma_semaphore, #tpu.memory_space<semaphore_mem>>) attributes {dimension_semantics = [#tpu.dimension_semantics<core_parallel>, #tpu.dimension_semantics<subcore_parallel>], iteration_bounds = array<i64: 2, 16>, scalar_prefetch = 0 : i64, scratch_operands = 20 : i64, tpu.core_type = #tpu.core_type<sc_vector_subcore>, window_params = [{transform_indices = #map}, {transform_indices = #map1}, {transform_indices = #map1}, {transform_indices = #map1}, {transform_indices = #map1}, {transform_indices = #map}]} {
    %scan3A = arith.constant 0 : i32
    %scan3A_0 = arith.constant 0 : i32
    %scan3A_1 = arith.constant 125 : i32
    %scan3A_2 = arith.addi %scan3A_0, %scan3A_1 : i32
    %scan3A_3 = arith.constant 1 : i32
    %scan3A_4 = scf.for %scan3A_66 = %scan3A_0 to %scan3A_2 step %scan3A_3 iter_args(%scan3A_67 = %scan3A) -> (i32)  : i32 {
      %broadcast_in_dim3A = arith.constant 0.000000e+00 : f32
      %broadcast_in_dim3A_68 = vector.broadcast %broadcast_in_dim3A : f32 to vector<16xf32>
      %swap3A = arith.index_cast %scan3A_66 : i32 to index
      %swap3A_69 = arith.constant 0 : index
      %swap3A_70 = tpu.vector_load %arg10[%swap3A, %swap3A_69] {strides = array<i32>} : memref<125x64xf32, #tpu.memory_space<vmem>>, vector<1x16xf32>,
      %swap3A_71 = vector.shape_cast %swap3A_70 : vector<1x16xf32> to vector<16xf32>
      %swap3A_72 = vector.shape_cast %broadcast_in_dim3A_68 : vector<16xf32> to vector<1x16xf32>
      tpu.vector_store %arg10[%swap3A, %swap3A_69], %swap3A_72 {strides = array<i32>} : memref<125x64xf32, #tpu.memory_space<vmem>>, vector<1x16xf32>,
      %broadcast_in_dim3A_73 = arith.constant 0.000000e+00 : f32
      %broadcast_in_dim3A_74 = vector.broadcast %broadcast_in_dim3A_73 : f32 to vector<16xf32>
      %swap3A_75 = arith.index_cast %scan3A_66 : i32 to index
      %swap3A_76 = arith.constant 16 : index
      %swap3A_77 = tpu.vector_load %arg10[%swap3A_75, %swap3A_76] {strides = array<i32>} : memref<125x64xf32, #tpu.memory_space<vmem>>, vector<1x16xf32>,
      %swap3A_78 = vector.shape_cast %swap3A_77 : vector<1x16xf32> to vector<16xf32>
      %swap3A_79 = vector.shape_cast %broadcast_in_dim3A_74 : vector<16xf32> to vector<1x16xf32>
      tpu.vector_store %arg10[%swap3A_75, %swap3A_76], %swap3A_79 {strides = array<i32>} : memref<125x64xf32, #tpu.memory_space<vmem>>, vector<1x16xf32>,
      %broadcast_in_dim3A_80 = arith.constant 0.000000e+00 : f32
      %broadcast_in_dim3A_81 = vector.broadcast %broadcast_in_dim3A_80 : f32 to vector<16xf32>
      %swap3A_82 = arith.index_cast %scan3A_66 : i32 to index
      %swap3A_83 = arith.constant 32 : index
      %swap3A_84 = tpu.vector_load %arg10[%swap3A_82, %swap3A_83] {strides = array<i32>} : memref<125x64xf32, #tpu.memory_space<vmem>>, vector<1x16xf32>,
      %swap3A_85 = vector.shape_cast %swap3A_84 : vector<1x16xf32> to vector<16xf32>
      %swap3A_86 = vector.shape_cast %broadcast_in_dim3A_81 : vector<16xf32> to vector<1x16xf32>
      tpu.vector_store %arg10[%swap3A_82, %swap3A_83], %swap3A_86 {strides = array<i32>} : memref<125x64xf32, #tpu.memory_space<vmem>>, vector<1x16xf32>,
      %broadcast_in_dim3A_87 = arith.constant 0.000000e+00 : f32
      %broadcast_in_dim3A_88 = vector.broadcast %broadcast_in_dim3A_87 : f32 to vector<16xf32>
      %swap3A_89 = arith.index_cast %scan3A_66 : i32 to index
      %swap3A_90 = arith.constant 48 : index
      %swap3A_91 = tpu.vector_load %arg10[%swap3A_89, %swap3A_90] {strides = array<i32>} : memref<125x64xf32, #tpu.memory_space<vmem>>, vector<1x16xf32>,
      %swap3A_92 = vector.shape_cast %swap3A_91 : vector<1x16xf32> to vector<16xf32>
      %swap3A_93 = vector.shape_cast %broadcast_in_dim3A_88 : vector<16xf32> to vector<1x16xf32>
      tpu.vector_store %arg10[%swap3A_89, %swap3A_90], %swap3A_93 {strides = array<i32>} : memref<125x64xf32, #tpu.memory_space<vmem>>, vector<1x16xf32>,
      %scan3A_94 = arith.constant 0 : i32
      scf.yield %scan3A_94 : i32
    }
    %scan3A_5 = arith.constant 125 : i32
    %scan3A_6 = arith.constant 0 : i32
    %scan3A_7 = arith.constant 0 : i32
    %scan3A_8 = arith.constant 125 : i32
    %scan3A_9 = arith.addi %scan3A_7, %scan3A_8 : i32
    %scan3A_10 = arith.constant 1 : i32
    %scan3A_11 = scf.for %scan3A_66 = %scan3A_7 to %scan3A_9 step %scan3A_10 iter_args(%scan3A_67 = %scan3A_6) -> (i32)  : i32 {
      %broadcast_in_dim3A = arith.constant 0.000000e+00 : f32
      %broadcast_in_dim3A_68 = vector.broadcast %broadcast_in_dim3A : f32 to vector<16xf32>
      %swap3A = arith.index_cast %scan3A_66 : i32 to index
      %swap3A_69 = arith.constant 0 : index
      %swap3A_70 = tpu.vector_load %arg15[%swap3A, %swap3A_69] {strides = array<i32>} : memref<125x16xf32, #tpu.memory_space<vmem>>, vector<1x16xf32>,
      %swap3A_71 = vector.shape_cast %swap3A_70 : vector<1x16xf32> to vector<16xf32>
      %swap3A_72 = vector.shape_cast %broadcast_in_dim3A_68 : vector<16xf32> to vector<1x16xf32>
      tpu.vector_store %arg15[%swap3A, %swap3A_69], %swap3A_72 {strides = array<i32>} : memref<125x16xf32, #tpu.memory_space<vmem>>, vector<1x16xf32>,
      %scan3A_73 = arith.constant 0 : i32
      scf.yield %scan3A_73 : i32
    }
    %scan3A_12 = arith.constant 125 : i32
    %mul3A = arith.constant 632 : i32
    %mul3A_13 = arith.muli %arg1, %mul3A : i32
    %add3A = arith.constant 0 : i32
    %add3A_14 = arith.addi %mul3A_13, %add3A : i32
    "tpu.region"() ({
      %run_scoped3A = tpu.sem_alloc : memref<!tpu.dma_semaphore, #tpu.memory_space<semaphore_mem>>
      %dma_start3A_66 = arith.constant 0 : i32
      %dma_start3A_67 = tpu.memref_slice %arg16[%add3A_14, %dma_start3A_66] : memref<10112x64xf32, #tpu.memory_space<vmem_shared>> -> memref<125x64xf32, #tpu.memory_space<vmem_shared>>
      %dma_start3A_68 = arith.constant 0 : i32
      %dma_start3A_69 = tpu.memref_slice %arg16[%add3A_14, %dma_start3A_68] : memref<10112x64xf32, #tpu.memory_space<vmem_shared>> -> memref<125x64xf32, #tpu.memory_space<vmem_shared>>
      tpu.enqueue_dma source(%arg10 : memref<125x64xf32, #tpu.memory_space<vmem>>) target(%dma_start3A_69 : memref<125x64xf32, #tpu.memory_space<vmem_shared>>) target_semaphore(%run_scoped3A : memref<!tpu.dma_semaphore, #tpu.memory_space<semaphore_mem>>)
      %dma_wait3A_70 = arith.constant 0 : i32
      %dma_wait3A_71 = tpu.memref_slice %arg16[%add3A_14, %dma_wait3A_70] : memref<10112x64xf32, #tpu.memory_space<vmem_shared>> -> memref<125x64xf32, #tpu.memory_space<vmem_shared>>
      %dma_wait3A_72 = arith.constant 0 : i32
      %dma_wait3A_73 = tpu.memref_slice %arg16[%add3A_14, %dma_wait3A_72] : memref<10112x64xf32, #tpu.memory_space<vmem_shared>> -> memref<125x64xf32, #tpu.memory_space<vmem_shared>>
      tpu.wait_dma2 semaphore(%run_scoped3A : memref<!tpu.dma_semaphore, #tpu.memory_space<semaphore_mem>>) src(%arg10 : memref<125x64xf32, #tpu.memory_space<vmem>>) dst(%dma_wait3A_73 : memref<125x64xf32, #tpu.memory_space<vmem_shared>>)
      tpu.yield
    }) : () -> ()
    %add3A_15 = arith.constant 125 : i32
    %add3A_16 = arith.addi %mul3A_13, %add3A_15 : i32
    "tpu.region"() ({
      %run_scoped3A = tpu.sem_alloc : memref<!tpu.dma_semaphore, #tpu.memory_space<semaphore_mem>>
      %dma_start3A_66 = arith.constant 0 : i32
      %dma_start3A_67 = tpu.memref_slice %arg16[%add3A_16, %dma_start3A_66] : memref<10112x64xf32, #tpu.memory_space<vmem_shared>> -> memref<125x64xf32, #tpu.memory_space<vmem_shared>>
      %dma_start3A_68 = arith.constant 0 : i32
      %dma_start3A_69 = tpu.memref_slice %arg16[%add3A_16, %dma_start3A_68] : memref<10112x64xf32, #tpu.memory_space<vmem_shared>> -> memref<125x64xf32, #tpu.memory_space<vmem_shared>>
      tpu.enqueue_dma source(%arg10 : memref<125x64xf32, #tpu.memory_space<vmem>>) target(%dma_start3A_69 : memref<125x64xf32, #tpu.memory_space<vmem_shared>>) target_semaphore(%run_scoped3A : memref<!tpu.dma_semaphore, #tpu.memory_space<semaphore_mem>>)
      %dma_wait3A_70 = arith.constant 0 : i32
      %dma_wait3A_71 = tpu.memref_slice %arg16[%add3A_16, %dma_wait3A_70] : memref<10112x64xf32, #tpu.memory_space<vmem_shared>> -> memref<125x64xf32, #tpu.memory_space<vmem_shared>>
      %dma_wait3A_72 = arith.constant 0 : i32
      %dma_wait3A_73 = tpu.memref_slice %arg16[%add3A_16, %dma_wait3A_72] : memref<10112x64xf32, #tpu.memory_space<vmem_shared>> -> memref<125x64xf32, #tpu.memory_space<vmem_shared>>
      tpu.wait_dma2 semaphore(%run_scoped3A : memref<!tpu.dma_semaphore, #tpu.memory_space<semaphore_mem>>) src(%arg10 : memref<125x64xf32, #tpu.memory_space<vmem>>) dst(%dma_wait3A_73 : memref<125x64xf32, #tpu.memory_space<vmem_shared>>)
      tpu.yield
    }) : () -> ()
    %add3A_17 = arith.constant 250 : i32
    %add3A_18 = arith.addi %mul3A_13, %add3A_17 : i32
    "tpu.region"() ({
      %run_scoped3A = tpu.sem_alloc : memref<!tpu.dma_semaphore, #tpu.memory_space<semaphore_mem>>
      %dma_start3A_66 = arith.constant 0 : i32
      %dma_start3A_67 = tpu.memref_slice %arg16[%add3A_18, %dma_start3A_66] : memref<10112x64xf32, #tpu.memory_space<vmem_shared>> -> memref<125x64xf32, #tpu.memory_space<vmem_shared>>
      %dma_start3A_68 = arith.constant 0 : i32
      %dma_start3A_69 = tpu.memref_slice %arg16[%add3A_18, %dma_start3A_68] : memref<10112x64xf32, #tpu.memory_space<vmem_shared>> -> memref<125x64xf32, #tpu.memory_space<vmem_shared>>
      tpu.enqueue_dma source(%arg10 : memref<125x64xf32, #tpu.memory_space<vmem>>) target(%dma_start3A_69 : memref<125x64xf32, #tpu.memory_space<vmem_shared>>) target_semaphore(%run_scoped3A : memref<!tpu.dma_semaphore, #tpu.memory_space<semaphore_mem>>)
      %dma_wait3A_70 = arith.constant 0 : i32
      %dma_wait3A_71 = tpu.memref_slice %arg16[%add3A_18, %dma_wait3A_70] : memref<10112x64xf32, #tpu.memory_space<vmem_shared>> -> memref<125x64xf32, #tpu.memory_space<vmem_shared>>
      %dma_wait3A_72 = arith.constant 0 : i32
      %dma_wait3A_73 = tpu.memref_slice %arg16[%add3A_18, %dma_wait3A_72] : memref<10112x64xf32, #tpu.memory_space<vmem_shared>> -> memref<125x64xf32, #tpu.memory_space<vmem_shared>>
      tpu.wait_dma2 semaphore(%run_scoped3A : memref<!tpu.dma_semaphore, #tpu.memory_space<semaphore_mem>>) src(%arg10 : memref<125x64xf32, #tpu.memory_space<vmem>>) dst(%dma_wait3A_73 : memref<125x64xf32, #tpu.memory_space<vmem_shared>>)
      tpu.yield
    }) : () -> ()
    %add3A_19 = arith.constant 375 : i32
    %add3A_20 = arith.addi %mul3A_13, %add3A_19 : i32
    "tpu.region"() ({
      %run_scoped3A = tpu.sem_alloc : memref<!tpu.dma_semaphore, #tpu.memory_space<semaphore_mem>>
      %dma_start3A_66 = arith.constant 0 : i32
      %dma_start3A_67 = tpu.memref_slice %arg16[%add3A_20, %dma_start3A_66] : memref<10112x64xf32, #tpu.memory_space<vmem_shared>> -> memref<125x64xf32, #tpu.memory_space<vmem_shared>>
      %dma_start3A_68 = arith.constant 0 : i32
      %dma_start3A_69 = tpu.memref_slice %arg16[%add3A_20, %dma_start3A_68] : memref<10112x64xf32, #tpu.memory_space<vmem_shared>> -> memref<125x64xf32, #tpu.memory_space<vmem_shared>>
      tpu.enqueue_dma source(%arg10 : memref<125x64xf32, #tpu.memory_space<vmem>>) target(%dma_start3A_69 : memref<125x64xf32, #tpu.memory_space<vmem_shared>>) target_semaphore(%run_scoped3A : memref<!tpu.dma_semaphore, #tpu.memory_space<semaphore_mem>>)
      %dma_wait3A_70 = arith.constant 0 : i32
      %dma_wait3A_71 = tpu.memref_slice %arg16[%add3A_20, %dma_wait3A_70] : memref<10112x64xf32, #tpu.memory_space<vmem_shared>> -> memref<125x64xf32, #tpu.memory_space<vmem_shared>>
      %dma_wait3A_72 = arith.constant 0 : i32
      %dma_wait3A_73 = tpu.memref_slice %arg16[%add3A_20, %dma_wait3A_72] : memref<10112x64xf32, #tpu.memory_space<vmem_shared>> -> memref<125x64xf32, #tpu.memory_space<vmem_shared>>
      tpu.wait_dma2 semaphore(%run_scoped3A : memref<!tpu.dma_semaphore, #tpu.memory_space<semaphore_mem>>) src(%arg10 : memref<125x64xf32, #tpu.memory_space<vmem>>) dst(%dma_wait3A_73 : memref<125x64xf32, #tpu.memory_space<vmem_shared>>)
      tpu.yield
    }) : () -> ()
    %add3A_21 = arith.constant 500 : i32
    %add3A_22 = arith.addi %mul3A_13, %add3A_21 : i32
    "tpu.region"() ({
      %run_scoped3A = tpu.sem_alloc : memref<!tpu.dma_semaphore, #tpu.memory_space<semaphore_mem>>
      %dma_start3A_66 = arith.constant 0 : i32
      %dma_start3A_67 = tpu.memref_slice %arg16[%add3A_22, %dma_start3A_66] : memref<10112x64xf32, #tpu.memory_space<vmem_shared>> -> memref<125x64xf32, #tpu.memory_space<vmem_shared>>
      %dma_start3A_68 = arith.constant 0 : i32
      %dma_start3A_69 = tpu.memref_slice %arg16[%add3A_22, %dma_start3A_68] : memref<10112x64xf32, #tpu.memory_space<vmem_shared>> -> memref<125x64xf32, #tpu.memory_space<vmem_shared>>
      tpu.enqueue_dma source(%arg10 : memref<125x64xf32, #tpu.memory_space<vmem>>) target(%dma_start3A_69 : memref<125x64xf32, #tpu.memory_space<vmem_shared>>) target_semaphore(%run_scoped3A : memref<!tpu.dma_semaphore, #tpu.memory_space<semaphore_mem>>)
      %dma_wait3A_70 = arith.constant 0 : i32
      %dma_wait3A_71 = tpu.memref_slice %arg16[%add3A_22, %dma_wait3A_70] : memref<10112x64xf32, #tpu.memory_space<vmem_shared>> -> memref<125x64xf32, #tpu.memory_space<vmem_shared>>
      %dma_wait3A_72 = arith.constant 0 : i32
      %dma_wait3A_73 = tpu.memref_slice %arg16[%add3A_22, %dma_wait3A_72] : memref<10112x64xf32, #tpu.memory_space<vmem_shared>> -> memref<125x64xf32, #tpu.memory_space<vmem_shared>>
      tpu.wait_dma2 semaphore(%run_scoped3A : memref<!tpu.dma_semaphore, #tpu.memory_space<semaphore_mem>>) src(%arg10 : memref<125x64xf32, #tpu.memory_space<vmem>>) dst(%dma_wait3A_73 : memref<125x64xf32, #tpu.memory_space<vmem_shared>>)
      tpu.yield
    }) : () -> ()
    %add3A_23 = arith.constant 625 : i32
    %add3A_24 = arith.addi %mul3A_13, %add3A_23 : i32
    "tpu.region"() ({
      %run_scoped3A = tpu.sem_alloc : memref<!tpu.dma_semaphore, #tpu.memory_space<semaphore_mem>>
      %dma_start3A_66 = arith.constant 0 : i32
      %dma_start3A_67 = arith.constant 0 : i32
      %dma_start3A_68 = tpu.memref_slice %arg10[%dma_start3A_66, %dma_start3A_67] : memref<125x64xf32, #tpu.memory_space<vmem>> -> memref<7x64xf32, #tpu.memory_space<vmem>>
      %dma_start3A_69 = arith.constant 0 : i32
      %dma_start3A_70 = tpu.memref_slice %arg16[%add3A_24, %dma_start3A_69] : memref<10112x64xf32, #tpu.memory_space<vmem_shared>> -> memref<7x64xf32, #tpu.memory_space<vmem_shared>>
      %dma_start3A_71 = arith.constant 0 : i32
      %dma_start3A_72 = tpu.memref_slice %arg16[%add3A_24, %dma_start3A_71] : memref<10112x64xf32, #tpu.memory_space<vmem_shared>> -> memref<7x64xf32, #tpu.memory_space<vmem_shared>>
      %dma_start3A_73 = arith.constant 0 : i32
      %dma_start3A_74 = arith.constant 0 : i32
      %dma_start3A_75 = tpu.memref_slice %arg10[%dma_start3A_73, %dma_start3A_74] : memref<125x64xf32, #tpu.memory_space<vmem>> -> memref<7x64xf32, #tpu.memory_space<vmem>>
      tpu.enqueue_dma source(%dma_start3A_75 : memref<7x64xf32, #tpu.memory_space<vmem>>) target(%dma_start3A_72 : memref<7x64xf32, #tpu.memory_space<vmem_shared>>) target_semaphore(%run_scoped3A : memref<!tpu.dma_semaphore, #tpu.memory_space<semaphore_mem>>)
      %dma_wait3A_76 = arith.constant 0 : i32
      %dma_wait3A_77 = arith.constant 0 : i32
      %dma_wait3A_78 = tpu.memref_slice %arg10[%dma_wait3A_76, %dma_wait3A_77] : memref<125x64xf32, #tpu.memory_space<vmem>> -> memref<7x64xf32, #tpu.memory_space<vmem>>
      %dma_wait3A_79 = arith.constant 0 : i32
      %dma_wait3A_80 = tpu.memref_slice %arg16[%add3A_24, %dma_wait3A_79] : memref<10112x64xf32, #tpu.memory_space<vmem_shared>> -> memref<7x64xf32, #tpu.memory_space<vmem_shared>>
      %dma_wait3A_81 = arith.constant 0 : i32
      %dma_wait3A_82 = tpu.memref_slice %arg16[%add3A_24, %dma_wait3A_81] : memref<10112x64xf32, #tpu.memory_space<vmem_shared>> -> memref<7x64xf32, #tpu.memory_space<vmem_shared>>
      %dma_wait3A_83 = arith.constant 0 : i32
      %dma_wait3A_84 = arith.constant 0 : i32
      %dma_wait3A_85 = tpu.memref_slice %arg10[%dma_wait3A_83, %dma_wait3A_84] : memref<125x64xf32, #tpu.memory_space<vmem>> -> memref<7x64xf32, #tpu.memory_space<vmem>>
      tpu.wait_dma2 semaphore(%run_scoped3A : memref<!tpu.dma_semaphore, #tpu.memory_space<semaphore_mem>>) src(%dma_wait3A_85 : memref<7x64xf32, #tpu.memory_space<vmem>>) dst(%dma_wait3A_82 : memref<7x64xf32, #tpu.memory_space<vmem_shared>>)
      tpu.yield
    }) : () -> ()
    %eq3A = arith.constant 0 : i32
    %eq3A_25 = arith.cmpi eq, %arg0, %eq3A : i32
    %convert_element_type3A = arith.extui %eq3A_25 : i1 to i32
    %cond3A = arith.constant 0 : i32
    %cond3A_26 = arith.cmpi ne, %convert_element_type3A, %cond3A : i32
    scf.if %cond3A_26 {
      "tpu.region"() ({
        %run_scoped3A = tpu.sem_alloc : memref<!tpu.dma_semaphore, #tpu.memory_space<semaphore_mem>>
        %dma_start3A_66 = arith.constant 0 : i32
        %dma_start3A_67 = arith.constant 0 : i32
        %dma_start3A_68 = tpu.memref_slice %arg3[%arg1, %dma_start3A_66, %dma_start3A_67] : memref<16x160x125xi32, #tpu.memory_space<hbm>> -> memref<1x160x125xi32, #tpu.memory_space<hbm>>
        %dma_start3A_69 = tpu.memref_squeeze %dma_start3A_68 : memref<1x160x125xi32, #tpu.memory_space<hbm>> -> memref<160x125xi32, #tpu.memory_space<hbm>>
        %dma_start3A_70 = arith.constant 0 : i32
        %dma_start3A_71 = arith.constant 0 : i32
        %dma_start3A_72 = tpu.memref_slice %arg3[%arg1, %dma_start3A_70, %dma_start3A_71] : memref<16x160x125xi32, #tpu.memory_space<hbm>> -> memref<1x160x125xi32, #tpu.memory_space<hbm>>
        %dma_start3A_73 = tpu.memref_squeeze %dma_start3A_72 : memref<1x160x125xi32, #tpu.memory_space<hbm>> -> memref<160x125xi32, #tpu.memory_space<hbm>>
        tpu.enqueue_dma source(%dma_start3A_73 : memref<160x125xi32, #tpu.memory_space<hbm>>) target(%arg8 : memref<160x125xi32, #tpu.memory_space<vmem>>) target_semaphore(%run_scoped3A : memref<!tpu.dma_semaphore, #tpu.memory_space<semaphore_mem>>)
        %dma_wait3A_74 = arith.constant 0 : i32
        %dma_wait3A_75 = arith.constant 0 : i32
        %dma_wait3A_76 = tpu.memref_slice %arg3[%arg1, %dma_wait3A_74, %dma_wait3A_75] : memref<16x160x125xi32, #tpu.memory_space<hbm>> -> memref<1x160x125xi32, #tpu.memory_space<hbm>>
        %dma_wait3A_77 = tpu.memref_squeeze %dma_wait3A_76 : memref<1x160x125xi32, #tpu.memory_space<hbm>> -> memref<160x125xi32, #tpu.memory_space<hbm>>
        %dma_wait3A_78 = arith.constant 0 : i32
        %dma_wait3A_79 = arith.constant 0 : i32
        %dma_wait3A_80 = tpu.memref_slice %arg3[%arg1, %dma_wait3A_78, %dma_wait3A_79] : memref<16x160x125xi32, #tpu.memory_space<hbm>> -> memref<1x160x125xi32, #tpu.memory_space<hbm>>
        %dma_wait3A_81 = tpu.memref_squeeze %dma_wait3A_80 : memref<1x160x125xi32, #tpu.memory_space<hbm>> -> memref<160x125xi32, #tpu.memory_space<hbm>>
        tpu.wait_dma2 semaphore(%run_scoped3A : memref<!tpu.dma_semaphore, #tpu.memory_space<semaphore_mem>>) src(%dma_wait3A_81 : memref<160x125xi32, #tpu.memory_space<hbm>>) dst(%arg8 : memref<160x125xi32, #tpu.memory_space<vmem>>)
        tpu.yield
      }) : () -> ()
    } else {
    }
    %eq3A_27 = arith.constant 1 : i32
    %eq3A_28 = arith.cmpi eq, %arg0, %eq3A_27 : i32
    %convert_element_type3A_29 = arith.extui %eq3A_28 : i1 to i32
    %cond3A_30 = arith.constant 0 : i32
    %cond3A_31 = arith.cmpi ne, %convert_element_type3A_29, %cond3A_30 : i32
    scf.if %cond3A_31 {
      "tpu.region"() ({
        %run_scoped3A = tpu.sem_alloc : memref<!tpu.dma_semaphore, #tpu.memory_space<semaphore_mem>>
        %dma_start3A_66 = arith.constant 0 : i32
        %dma_start3A_67 = arith.constant 0 : i32
        %dma_start3A_68 = tpu.memref_slice %arg4[%arg1, %dma_start3A_66, %dma_start3A_67] : memref<16x160x125xi32, #tpu.memory_space<hbm>> -> memref<1x160x125xi32, #tpu.memory_space<hbm>>
        %dma_start3A_69 = tpu.memref_squeeze %dma_start3A_68 : memref<1x160x125xi32, #tpu.memory_space<hbm>> -> memref<160x125xi32, #tpu.memory_space<hbm>>
        %dma_start3A_70 = arith.constant 0 : i32
        %dma_start3A_71 = arith.constant 0 : i32
        %dma_start3A_72 = tpu.memref_slice %arg4[%arg1, %dma_start3A_70, %dma_start3A_71] : memref<16x160x125xi32, #tpu.memory_space<hbm>> -> memref<1x160x125xi32, #tpu.memory_space<hbm>>
        %dma_start3A_73 = tpu.memref_squeeze %dma_start3A_72 : memref<1x160x125xi32, #tpu.memory_space<hbm>> -> memref<160x125xi32, #tpu.memory_space<hbm>>
        tpu.enqueue_dma source(%dma_start3A_73 : memref<160x125xi32, #tpu.memory_space<hbm>>) target(%arg8 : memref<160x125xi32, #tpu.memory_space<vmem>>) target_semaphore(%run_scoped3A : memref<!tpu.dma_semaphore, #tpu.memory_space<semaphore_mem>>)
        %dma_wait3A_74 = arith.constant 0 : i32
        %dma_wait3A_75 = arith.constant 0 : i32
        %dma_wait3A_76 = tpu.memref_slice %arg4[%arg1, %dma_wait3A_74, %dma_wait3A_75] : memref<16x160x125xi32, #tpu.memory_space<hbm>> -> memref<1x160x125xi32, #tpu.memory_space<hbm>>
        %dma_wait3A_77 = tpu.memref_squeeze %dma_wait3A_76 : memref<1x160x125xi32, #tpu.memory_space<hbm>> -> memref<160x125xi32, #tpu.memory_space<hbm>>
        %dma_wait3A_78 = arith.constant 0 : i32
        %dma_wait3A_79 = arith.constant 0 : i32
        %dma_wait3A_80 = tpu.memref_slice %arg4[%arg1, %dma_wait3A_78, %dma_wait3A_79] : memref<16x160x125xi32, #tpu.memory_space<hbm>> -> memref<1x160x125xi32, #tpu.memory_space<hbm>>
        %dma_wait3A_81 = tpu.memref_squeeze %dma_wait3A_80 : memref<1x160x125xi32, #tpu.memory_space<hbm>> -> memref<160x125xi32, #tpu.memory_space<hbm>>
        tpu.wait_dma2 semaphore(%run_scoped3A : memref<!tpu.dma_semaphore, #tpu.memory_space<semaphore_mem>>) src(%dma_wait3A_81 : memref<160x125xi32, #tpu.memory_space<hbm>>) dst(%arg8 : memref<160x125xi32, #tpu.memory_space<vmem>>)
        tpu.yield
      }) : () -> ()
    } else {
    }
    "tpu.region"() ({
      %run_scoped3A = tpu.sem_alloc : memref<!tpu.dma_semaphore, #tpu.memory_space<semaphore_mem>>
      %dma_start3A_66 = arith.constant 0 : i32
      %dma_start3A_67 = arith.constant 0 : i32
      %dma_start3A_68 = tpu.memref_slice %arg5[%arg1, %dma_start3A_66, %dma_start3A_67] : memref<16x160x125xi32, #tpu.memory_space<hbm>> -> memref<1x160x125xi32, #tpu.memory_space<hbm>>
      %dma_start3A_69 = tpu.memref_squeeze %dma_start3A_68 : memref<1x160x125xi32, #tpu.memory_space<hbm>> -> memref<160x125xi32, #tpu.memory_space<hbm>>
      %dma_start3A_70 = arith.constant 0 : i32
      %dma_start3A_71 = arith.constant 0 : i32
      %dma_start3A_72 = tpu.memref_slice %arg5[%arg1, %dma_start3A_70, %dma_start3A_71] : memref<16x160x125xi32, #tpu.memory_space<hbm>> -> memref<1x160x125xi32, #tpu.memory_space<hbm>>
      %dma_start3A_73 = tpu.memref_squeeze %dma_start3A_72 : memref<1x160x125xi32, #tpu.memory_space<hbm>> -> memref<160x125xi32, #tpu.memory_space<hbm>>
      tpu.enqueue_dma source(%dma_start3A_73 : memref<160x125xi32, #tpu.memory_space<hbm>>) target(%arg9 : memref<160x125xi32, #tpu.memory_space<vmem>>) target_semaphore(%run_scoped3A : memref<!tpu.dma_semaphore, #tpu.memory_space<semaphore_mem>>)
      %dma_wait3A_74 = arith.constant 0 : i32
      %dma_wait3A_75 = arith.constant 0 : i32
      %dma_wait3A_76 = tpu.memref_slice %arg5[%arg1, %dma_wait3A_74, %dma_wait3A_75] : memref<16x160x125xi32, #tpu.memory_space<hbm>> -> memref<1x160x125xi32, #tpu.memory_space<hbm>>
      %dma_wait3A_77 = tpu.memref_squeeze %dma_wait3A_76 : memref<1x160x125xi32, #tpu.memory_space<hbm>> -> memref<160x125xi32, #tpu.memory_space<hbm>>
      %dma_wait3A_78 = arith.constant 0 : i32
      %dma_wait3A_79 = arith.constant 0 : i32
      %dma_wait3A_80 = tpu.memref_slice %arg5[%arg1, %dma_wait3A_78, %dma_wait3A_79] : memref<16x160x125xi32, #tpu.memory_space<hbm>> -> memref<1x160x125xi32, #tpu.memory_space<hbm>>
      %dma_wait3A_81 = tpu.memref_squeeze %dma_wait3A_80 : memref<1x160x125xi32, #tpu.memory_space<hbm>> -> memref<160x125xi32, #tpu.memory_space<hbm>>
      tpu.wait_dma2 semaphore(%run_scoped3A : memref<!tpu.dma_semaphore, #tpu.memory_space<semaphore_mem>>) src(%dma_wait3A_81 : memref<160x125xi32, #tpu.memory_space<hbm>>) dst(%arg9 : memref<160x125xi32, #tpu.memory_space<vmem>>)
      tpu.yield
    }) : () -> ()
    %barrier3A = arith.constant 0 : index
    tpu.barrier barrier_id(%barrier3A)
    %dma_start3A = arith.constant 0 : i32
    %dma_start3A_32 = arith.constant 0 : i32
    %dma_start3A_33 = tpu.memref_slice %arg8[%dma_start3A, %dma_start3A_32] : memref<160x125xi32, #tpu.memory_space<vmem>> -> memref<1x125xi32, #tpu.memory_space<vmem>>
    %dma_start3A_34 = tpu.memref_squeeze %dma_start3A_33 : memref<1x125xi32, #tpu.memory_space<vmem>> -> memref<125xi32, #tpu.memory_space<vmem>>
    %dma_start3A_35 = arith.constant 0 : i32
    %dma_start3A_36 = arith.constant 0 : i32
    %dma_start3A_37 = tpu.memref_slice %arg2[%dma_start3A_35, %dma_start3A_36] : memref<20000x64xf32, #tpu.memory_space<hbm>> -> memref<20000x64xf32, #tpu.memory_space<hbm>>
    tpu.enqueue_indirect_dma source(%dma_start3A_37 : memref<20000x64xf32, #tpu.memory_space<hbm>>) target(%arg10 : memref<125x64xf32, #tpu.memory_space<vmem>>) offsets(%dma_start3A_34 : memref<125xi32, #tpu.memory_space<vmem>>) semaphore(%arg18 : memref<!tpu.dma_semaphore, #tpu.memory_space<semaphore_mem>>)
    %dma_start3A_38 = arith.constant 1 : i32
    %dma_start3A_39 = arith.constant 0 : i32
    %dma_start3A_40 = tpu.memref_slice %arg8[%dma_start3A_38, %dma_start3A_39] : memref<160x125xi32, #tpu.memory_space<vmem>> -> memref<1x125xi32, #tpu.memory_space<vmem>>
    %dma_start3A_41 = tpu.memref_squeeze %dma_start3A_40 : memref<1x125xi32, #tpu.memory_space<vmem>> -> memref<125xi32, #tpu.memory_space<vmem>>
    %dma_start3A_42 = arith.constant 0 : i32
    %dma_start3A_43 = arith.constant 0 : i32
    %dma_start3A_44 = tpu.memref_slice %arg2[%dma_start3A_42, %dma_start3A_43] : memref<20000x64xf32, #tpu.memory_space<hbm>> -> memref<20000x64xf32, #tpu.memory_space<hbm>>
    tpu.enqueue_indirect_dma source(%dma_start3A_44 : memref<20000x64xf32, #tpu.memory_space<hbm>>) target(%arg11 : memref<125x64xf32, #tpu.memory_space<vmem>>) offsets(%dma_start3A_41 : memref<125xi32, #tpu.memory_space<vmem>>) semaphore(%arg19 : memref<!tpu.dma_semaphore, #tpu.memory_space<semaphore_mem>>)
    %dma_start3A_45 = arith.constant 2 : i32
    %dma_start3A_46 = arith.constant 0 : i32
    %dma_start3A_47 = tpu.memref_slice %arg8[%dma_start3A_45, %dma_start3A_46] : memref<160x125xi32, #tpu.memory_space<vmem>> -> memref<1x125xi32, #tpu.memory_space<vmem>>
    %dma_start3A_48 = tpu.memref_squeeze %dma_start3A_47 : memref<1x125xi32, #tpu.memory_space<vmem>> -> memref<125xi32, #tpu.memory_space<vmem>>
    %dma_start3A_49 = arith.constant 0 : i32
    %dma_start3A_50 = arith.constant 0 : i32
    %dma_start3A_51 = tpu.memref_slice %arg2[%dma_start3A_49, %dma_start3A_50] : memref<20000x64xf32, #tpu.memory_space<hbm>> -> memref<20000x64xf32, #tpu.memory_space<hbm>>
    tpu.enqueue_indirect_dma source(%dma_start3A_51 : memref<20000x64xf32, #tpu.memory_space<hbm>>) target(%arg12 : memref<125x64xf32, #tpu.memory_space<vmem>>) offsets(%dma_start3A_48 : memref<125xi32, #tpu.memory_space<vmem>>) semaphore(%arg20 : memref<!tpu.dma_semaphore, #tpu.memory_space<semaphore_mem>>)
    %scan3A_52 = arith.constant 0 : i32
    %scan3A_53 = arith.constant 0 : i32
    %scan3A_54 = arith.constant 40 : i32
    %scan3A_55 = arith.addi %scan3A_53, %scan3A_54 : i32
    %scan3A_56 = arith.constant 1 : i32
    %scan3A_57 = scf.for %scan3A_66 = %scan3A_53 to %scan3A_55 step %scan3A_56 iter_args(%scan3A_67 = %scan3A_52) -> (i32)  : i32 {
      %mul3A_68 = arith.constant 4 : i32
      %mul3A_69 = arith.muli %mul3A_68, %scan3A_66 : i32
      %add3A_70 = arith.constant 0 : i32
      %add3A_71 = arith.addi %mul3A_69, %add3A_70 : i32
      %dma_wait3A_72 = arith.constant 0 : i32
      %dma_wait3A_73 = arith.constant 0 : i32
      %dma_wait3A_74 = tpu.memref_slice %arg8[%dma_wait3A_72, %dma_wait3A_73] : memref<160x125xi32, #tpu.memory_space<vmem>> -> memref<1x125xi32, #tpu.memory_space<vmem>>
      %dma_wait3A_75 = tpu.memref_squeeze %dma_wait3A_74 : memref<1x125xi32, #tpu.memory_space<vmem>> -> memref<125xi32, #tpu.memory_space<vmem>>
      %dma_wait3A_76 = arith.constant 0 : i32
      %dma_wait3A_77 = arith.constant 0 : i32
      %dma_wait3A_78 = tpu.memref_slice %arg2[%dma_wait3A_76, %dma_wait3A_77] : memref<20000x64xf32, #tpu.memory_space<hbm>> -> memref<20000x64xf32, #tpu.memory_space<hbm>>
      tpu.wait_indirect_dma semaphore(%arg18 : memref<!tpu.dma_semaphore, #tpu.memory_space<semaphore_mem>>) src(%dma_wait3A_78 : memref<20000x64xf32, #tpu.memory_space<hbm>>) dst(%arg10 : memref<125x64xf32, #tpu.memory_space<vmem>>)
      %dma_start3A_79 = arith.constant 0 : i32
      %dma_start3A_80 = tpu.memref_slice %arg9[%add3A_71, %dma_start3A_79] : memref<160x125xi32, #tpu.memory_space<vmem>> -> memref<1x125xi32, #tpu.memory_space<vmem>>
      %dma_start3A_81 = tpu.memref_squeeze %dma_start3A_80 : memref<1x125xi32, #tpu.memory_space<vmem>> -> memref<125xi32, #tpu.memory_space<vmem>>
      %dma_start3A_82 = arith.constant 0 : i32
      %dma_start3A_83 = arith.constant 0 : i32
      %dma_start3A_84 = tpu.memref_slice %arg16[%dma_start3A_82, %dma_start3A_83] : memref<10112x64xf32, #tpu.memory_space<vmem_shared>> -> memref<10112x64xf32, #tpu.memory_space<vmem_shared>>
      tpu.enqueue_indirect_dma source(%arg10 : memref<125x64xf32, #tpu.memory_space<vmem>>) target(%dma_start3A_84 : memref<10112x64xf32, #tpu.memory_space<vmem_shared>>) offsets(%dma_start3A_81 : memref<125xi32, #tpu.memory_space<vmem>>) semaphore(%arg22 : memref<!tpu.dma_semaphore, #tpu.memory_space<semaphore_mem>>) {add = true}
      %gt3A = arith.constant 0 : i32
      %gt3A_85 = arith.cmpi sgt, %scan3A_66, %gt3A : i32
      %convert_element_type3A_86 = arith.extui %gt3A_85 : i1 to i32
      %cond3A_87 = arith.constant 0 : i32
      %cond3A_88 = arith.cmpi ne, %convert_element_type3A_86, %cond3A_87 : i32
      scf.if %cond3A_88 {
        %dma_wait3A_184 = arith.constant 0 : i32
        %dma_wait3A_185 = arith.constant 0 : i32
        %dma_wait3A_186 = tpu.memref_slice %arg9[%dma_wait3A_184, %dma_wait3A_185] : memref<160x125xi32, #tpu.memory_space<vmem>> -> memref<1x125xi32, #tpu.memory_space<vmem>>
        %dma_wait3A_187 = tpu.memref_squeeze %dma_wait3A_186 : memref<1x125xi32, #tpu.memory_space<vmem>> -> memref<125xi32, #tpu.memory_space<vmem>>
        %dma_wait3A_188 = arith.constant 0 : i32
        %dma_wait3A_189 = arith.constant 0 : i32
        %dma_wait3A_190 = tpu.memref_slice %arg16[%dma_wait3A_188, %dma_wait3A_189] : memref<10112x64xf32, #tpu.memory_space<vmem_shared>> -> memref<10112x64xf32, #tpu.memory_space<vmem_shared>>
        tpu.wait_indirect_dma semaphore(%arg25 : memref<!tpu.dma_semaphore, #tpu.memory_space<semaphore_mem>>) src(%arg13 : memref<125x64xf32, #tpu.memory_space<vmem>>) dst(%dma_wait3A_190 : memref<10112x64xf32, #tpu.memory_space<vmem_shared>>)
      } else {
      }
      %add3A_89 = arith.constant 3 : i32
      %add3A_90 = arith.addi %add3A_71, %add3A_89 : i32
      %dma_start3A_91 = arith.constant 0 : i32
      %dma_start3A_92 = tpu.memref_slice %arg8[%add3A_90, %dma_start3A_91] : memref<160x125xi32, #tpu.memory_space<vmem>> -> memref<1x125xi32, #tpu.memory_space<vmem>>
      %dma_start3A_93 = tpu.memref_squeeze %dma_start3A_92 : memref<1x125xi32, #tpu.memory_space<vmem>> -> memref<125xi32, #tpu.memory_space<vmem>>
      %dma_start3A_94 = arith.constant 0 : i32
      %dma_start3A_95 = arith.constant 0 : i32
      %dma_start3A_96 = tpu.memref_slice %arg2[%dma_start3A_94, %dma_start3A_95] : memref<20000x64xf32, #tpu.memory_space<hbm>> -> memref<20000x64xf32, #tpu.memory_space<hbm>>
      tpu.enqueue_indirect_dma source(%dma_start3A_96 : memref<20000x64xf32, #tpu.memory_space<hbm>>) target(%arg13 : memref<125x64xf32, #tpu.memory_space<vmem>>) offsets(%dma_start3A_93 : memref<125xi32, #tpu.memory_space<vmem>>) semaphore(%arg21 : memref<!tpu.dma_semaphore, #tpu.memory_space<semaphore_mem>>)
      %mul3A_97 = arith.constant 4 : i32
      %mul3A_98 = arith.muli %mul3A_97, %scan3A_66 : i32
      %add3A_99 = arith.constant 1 : i32
      %add3A_100 = arith.addi %mul3A_98, %add3A_99 : i32
      %dma_wait3A_101 = arith.constant 0 : i32
      %dma_wait3A_102 = arith.constant 0 : i32
      %dma_wait3A_103 = tpu.memref_slice %arg8[%dma_wait3A_101, %dma_wait3A_102] : memref<160x125xi32, #tpu.memory_space<vmem>> -> memref<1x125xi32, #tpu.memory_space<vmem>>
      %dma_wait3A_104 = tpu.memref_squeeze %dma_wait3A_103 : memref<1x125xi32, #tpu.memory_space<vmem>> -> memref<125xi32, #tpu.memory_space<vmem>>
      %dma_wait3A_105 = arith.constant 0 : i32
      %dma_wait3A_106 = arith.constant 0 : i32
      %dma_wait3A_107 = tpu.memref_slice %arg2[%dma_wait3A_105, %dma_wait3A_106] : memref<20000x64xf32, #tpu.memory_space<hbm>> -> memref<20000x64xf32, #tpu.memory_space<hbm>>
      tpu.wait_indirect_dma semaphore(%arg19 : memref<!tpu.dma_semaphore, #tpu.memory_space<semaphore_mem>>) src(%dma_wait3A_107 : memref<20000x64xf32, #tpu.memory_space<hbm>>) dst(%arg11 : memref<125x64xf32, #tpu.memory_space<vmem>>)
      %dma_start3A_108 = arith.constant 0 : i32
      %dma_start3A_109 = tpu.memref_slice %arg9[%add3A_100, %dma_start3A_108] : memref<160x125xi32, #tpu.memory_space<vmem>> -> memref<1x125xi32, #tpu.memory_space<vmem>>
      %dma_start3A_110 = tpu.memref_squeeze %dma_start3A_109 : memref<1x125xi32, #tpu.memory_space<vmem>> -> memref<125xi32, #tpu.memory_space<vmem>>
      %dma_start3A_111 = arith.constant 0 : i32
      %dma_start3A_112 = arith.constant 0 : i32
      %dma_start3A_113 = tpu.memref_slice %arg16[%dma_start3A_111, %dma_start3A_112] : memref<10112x64xf32, #tpu.memory_space<vmem_shared>> -> memref<10112x64xf32, #tpu.memory_space<vmem_shared>>
      tpu.enqueue_indirect_dma source(%arg11 : memref<125x64xf32, #tpu.memory_space<vmem>>) target(%dma_start3A_113 : memref<10112x64xf32, #tpu.memory_space<vmem_shared>>) offsets(%dma_start3A_110 : memref<125xi32, #tpu.memory_space<vmem>>) semaphore(%arg23 : memref<!tpu.dma_semaphore, #tpu.memory_space<semaphore_mem>>) {add = true}
      %dma_wait3A_114 = arith.constant 0 : i32
      %dma_wait3A_115 = arith.constant 0 : i32
      %dma_wait3A_116 = tpu.memref_slice %arg9[%dma_wait3A_114, %dma_wait3A_115] : memref<160x125xi32, #tpu.memory_space<vmem>> -> memref<1x125xi32, #tpu.memory_space<vmem>>
      %dma_wait3A_117 = tpu.memref_squeeze %dma_wait3A_116 : memref<1x125xi32, #tpu.memory_space<vmem>> -> memref<125xi32, #tpu.memory_space<vmem>>
      %dma_wait3A_118 = arith.constant 0 : i32
      %dma_wait3A_119 = arith.constant 0 : i32
      %dma_wait3A_120 = tpu.memref_slice %arg16[%dma_wait3A_118, %dma_wait3A_119] : memref<10112x64xf32, #tpu.memory_space<vmem_shared>> -> memref<10112x64xf32, #tpu.memory_space<vmem_shared>>
      tpu.wait_indirect_dma semaphore(%arg22 : memref<!tpu.dma_semaphore, #tpu.memory_space<semaphore_mem>>) src(%arg10 : memref<125x64xf32, #tpu.memory_space<vmem>>) dst(%dma_wait3A_120 : memref<10112x64xf32, #tpu.memory_space<vmem_shared>>)
      %lt3A = arith.constant 39 : i32
      %lt3A_121 = arith.cmpi slt, %scan3A_66, %lt3A : i32
      %convert_element_type3A_122 = arith.extui %lt3A_121 : i1 to i32
      %cond3A_123 = arith.constant 0 : i32
      %cond3A_124 = arith.cmpi ne, %convert_element_type3A_122, %cond3A_123 : i32
      scf.if %cond3A_124 {
        %add3A_184 = arith.constant 3 : i32
        %add3A_185 = arith.addi %add3A_100, %add3A_184 : i32
        %dma_start3A_186 = arith.constant 0 : i32
        %dma_start3A_187 = tpu.memref_slice %arg8[%add3A_185, %dma_start3A_186] : memref<160x125xi32, #tpu.memory_space<vmem>> -> memref<1x125xi32, #tpu.memory_space<vmem>>
        %dma_start3A_188 = tpu.memref_squeeze %dma_start3A_187 : memref<1x125xi32, #tpu.memory_space<vmem>> -> memref<125xi32, #tpu.memory_space<vmem>>
        %dma_start3A_189 = arith.constant 0 : i32
        %dma_start3A_190 = arith.constant 0 : i32
        %dma_start3A_191 = tpu.memref_slice %arg2[%dma_start3A_189, %dma_start3A_190] : memref<20000x64xf32, #tpu.memory_space<hbm>> -> memref<20000x64xf32, #tpu.memory_space<hbm>>
        tpu.enqueue_indirect_dma source(%dma_start3A_191 : memref<20000x64xf32, #tpu.memory_space<hbm>>) target(%arg10 : memref<125x64xf32, #tpu.memory_space<vmem>>) offsets(%dma_start3A_188 : memref<125xi32, #tpu.memory_space<vmem>>) semaphore(%arg18 : memref<!tpu.dma_semaphore, #tpu.memory_space<semaphore_mem>>)
      } else {
      }
      %mul3A_125 = arith.constant 4 : i32
      %mul3A_126 = arith.muli %mul3A_125, %scan3A_66 : i32
      %add3A_127 = arith.constant 2 : i32
      %add3A_128 = arith.addi %mul3A_126, %add3A_127 : i32
      %dma_wait3A_129 = arith.constant 0 : i32
      %dma_wait3A_130 = arith.constant 0 : i32
      %dma_wait3A_131 = tpu.memref_slice %arg8[%dma_wait3A_129, %dma_wait3A_130] : memref<160x125xi32, #tpu.memory_space<vmem>> -> memref<1x125xi32, #tpu.memory_space<vmem>>
      %dma_wait3A_132 = tpu.memref_squeeze %dma_wait3A_131 : memref<1x125xi32, #tpu.memory_space<vmem>> -> memref<125xi32, #tpu.memory_space<vmem>>
      %dma_wait3A_133 = arith.constant 0 : i32
      %dma_wait3A_134 = arith.constant 0 : i32
      %dma_wait3A_135 = tpu.memref_slice %arg2[%dma_wait3A_133, %dma_wait3A_134] : memref<20000x64xf32, #tpu.memory_space<hbm>> -> memref<20000x64xf32, #tpu.memory_space<hbm>>
      tpu.wait_indirect_dma semaphore(%arg20 : memref<!tpu.dma_semaphore, #tpu.memory_space<semaphore_mem>>) src(%dma_wait3A_135 : memref<20000x64xf32, #tpu.memory_space<hbm>>) dst(%arg12 : memref<125x64xf32, #tpu.memory_space<vmem>>)
      %dma_start3A_136 = arith.constant 0 : i32
      %dma_start3A_137 = tpu.memref_slice %arg9[%add3A_128, %dma_start3A_136] : memref<160x125xi32, #tpu.memory_space<vmem>> -> memref<1x125xi32, #tpu.memory_space<vmem>>
      %dma_start3A_138 = tpu.memref_squeeze %dma_start3A_137 : memref<1x125xi32, #tpu.memory_space<vmem>> -> memref<125xi32, #tpu.memory_space<vmem>>
      %dma_start3A_139 = arith.constant 0 : i32
      %dma_start3A_140 = arith.constant 0 : i32
      %dma_start3A_141 = tpu.memref_slice %arg16[%dma_start3A_139, %dma_start3A_140] : memref<10112x64xf32, #tpu.memory_space<vmem_shared>> -> memref<10112x64xf32, #tpu.memory_space<vmem_shared>>
      tpu.enqueue_indirect_dma source(%arg12 : memref<125x64xf32, #tpu.memory_space<vmem>>) target(%dma_start3A_141 : memref<10112x64xf32, #tpu.memory_space<vmem_shared>>) offsets(%dma_start3A_138 : memref<125xi32, #tpu.memory_space<vmem>>) semaphore(%arg24 : memref<!tpu.dma_semaphore, #tpu.memory_space<semaphore_mem>>) {add = true}
      %dma_wait3A_142 = arith.constant 0 : i32
      %dma_wait3A_143 = arith.constant 0 : i32
      %dma_wait3A_144 = tpu.memref_slice %arg9[%dma_wait3A_142, %dma_wait3A_143] : memref<160x125xi32, #tpu.memory_space<vmem>> -> memref<1x125xi32, #tpu.memory_space<vmem>>
      %dma_wait3A_145 = tpu.memref_squeeze %dma_wait3A_144 : memref<1x125xi32, #tpu.memory_space<vmem>> -> memref<125xi32, #tpu.memory_space<vmem>>
      %dma_wait3A_146 = arith.constant 0 : i32
      %dma_wait3A_147 = arith.constant 0 : i32
      %dma_wait3A_148 = tpu.memref_slice %arg16[%dma_wait3A_146, %dma_wait3A_147] : memref<10112x64xf32, #tpu.memory_space<vmem_shared>> -> memref<10112x64xf32, #tpu.memory_space<vmem_shared>>
      tpu.wait_indirect_dma semaphore(%arg23 : memref<!tpu.dma_semaphore, #tpu.memory_space<semaphore_mem>>) src(%arg11 : memref<125x64xf32, #tpu.memory_space<vmem>>) dst(%dma_wait3A_148 : memref<10112x64xf32, #tpu.memory_space<vmem_shared>>)
      %lt3A_149 = arith.constant 39 : i32
      %lt3A_150 = arith.cmpi slt, %scan3A_66, %lt3A_149 : i32
      %convert_element_type3A_151 = arith.extui %lt3A_150 : i1 to i32
      %cond3A_152 = arith.constant 0 : i32
      %cond3A_153 = arith.cmpi ne, %convert_element_type3A_151, %cond3A_152 : i32
      scf.if %cond3A_153 {
        %add3A_184 = arith.constant 3 : i32
        %add3A_185 = arith.addi %add3A_128, %add3A_184 : i32
        %dma_start3A_186 = arith.constant 0 : i32
        %dma_start3A_187 = tpu.memref_slice %arg8[%add3A_185, %dma_start3A_186] : memref<160x125xi32, #tpu.memory_space<vmem>> -> memref<1x125xi32, #tpu.memory_space<vmem>>
        %dma_start3A_188 = tpu.memref_squeeze %dma_start3A_187 : memref<1x125xi32, #tpu.memory_space<vmem>> -> memref<125xi32, #tpu.memory_space<vmem>>
        %dma_start3A_189 = arith.constant 0 : i32
        %dma_start3A_190 = arith.constant 0 : i32
        %dma_start3A_191 = tpu.memref_slice %arg2[%dma_start3A_189, %dma_start3A_190] : memref<20000x64xf32, #tpu.memory_space<hbm>> -> memref<20000x64xf32, #tpu.memory_space<hbm>>
        tpu.enqueue_indirect_dma source(%dma_start3A_191 : memref<20000x64xf32, #tpu.memory_space<hbm>>) target(%arg11 : memref<125x64xf32, #tpu.memory_space<vmem>>) offsets(%dma_start3A_188 : memref<125xi32, #tpu.memory_space<vmem>>) semaphore(%arg19 : memref<!tpu.dma_semaphore, #tpu.memory_space<semaphore_mem>>)
      } else {
      }
      %mul3A_154 = arith.constant 4 : i32
      %mul3A_155 = arith.muli %mul3A_154, %scan3A_66 : i32
      %add3A_156 = arith.constant 3 : i32
      %add3A_157 = arith.addi %mul3A_155, %add3A_156 : i32
      %dma_wait3A_158 = arith.constant 0 : i32
      %dma_wait3A_159 = arith.constant 0 : i32
      %dma_wait3A_160 = tpu.memref_slice %arg8[%dma_wait3A_158, %dma_wait3A_159] : memref<160x125xi32, #tpu.memory_space<vmem>> -> memref<1x125xi32, #tpu.memory_space<vmem>>
      %dma_wait3A_161 = tpu.memref_squeeze %dma_wait3A_160 : memref<1x125xi32, #tpu.memory_space<vmem>> -> memref<125xi32, #tpu.memory_space<vmem>>
      %dma_wait3A_162 = arith.constant 0 : i32
      %dma_wait3A_163 = arith.constant 0 : i32
      %dma_wait3A_164 = tpu.memref_slice %arg2[%dma_wait3A_162, %dma_wait3A_163] : memref<20000x64xf32, #tpu.memory_space<hbm>> -> memref<20000x64xf32, #tpu.memory_space<hbm>>
      tpu.wait_indirect_dma semaphore(%arg21 : memref<!tpu.dma_semaphore, #tpu.memory_space<semaphore_mem>>) src(%dma_wait3A_164 : memref<20000x64xf32, #tpu.memory_space<hbm>>) dst(%arg13 : memref<125x64xf32, #tpu.memory_space<vmem>>)
      %dma_start3A_165 = arith.constant 0 : i32
      %dma_start3A_166 = tpu.memref_slice %arg9[%add3A_157, %dma_start3A_165] : memref<160x125xi32, #tpu.memory_space<vmem>> -> memref<1x125xi32, #tpu.memory_space<vmem>>
      %dma_start3A_167 = tpu.memref_squeeze %dma_start3A_166 : memref<1x125xi32, #tpu.memory_space<vmem>> -> memref<125xi32, #tpu.memory_space<vmem>>
      %dma_start3A_168 = arith.constant 0 : i32
      %dma_start3A_169 = arith.constant 0 : i32
      %dma_start3A_170 = tpu.memref_slice %arg16[%dma_start3A_168, %dma_start3A_169] : memref<10112x64xf32, #tpu.memory_space<vmem_shared>> -> memref<10112x64xf32, #tpu.memory_space<vmem_shared>>
      tpu.enqueue_indirect_dma source(%arg13 : memref<125x64xf32, #tpu.memory_space<vmem>>) target(%dma_start3A_170 : memref<10112x64xf32, #tpu.memory_space<vmem_shared>>) offsets(%dma_start3A_167 : memref<125xi32, #tpu.memory_space<vmem>>) semaphore(%arg25 : memref<!tpu.dma_semaphore, #tpu.memory_space<semaphore_mem>>) {add = true}
      %dma_wait3A_171 = arith.constant 0 : i32
      %dma_wait3A_172 = arith.constant 0 : i32
      %dma_wait3A_173 = tpu.memref_slice %arg9[%dma_wait3A_171, %dma_wait3A_172] : memref<160x125xi32, #tpu.memory_space<vmem>> -> memref<1x125xi32, #tpu.memory_space<vmem>>
      %dma_wait3A_174 = tpu.memref_squeeze %dma_wait3A_173 : memref<1x125xi32, #tpu.memory_space<vmem>> -> memref<125xi32, #tpu.memory_space<vmem>>
      %dma_wait3A_175 = arith.constant 0 : i32
      %dma_wait3A_176 = arith.constant 0 : i32
      %dma_wait3A_177 = tpu.memref_slice %arg16[%dma_wait3A_175, %dma_wait3A_176] : memref<10112x64xf32, #tpu.memory_space<vmem_shared>> -> memref<10112x64xf32, #tpu.memory_space<vmem_shared>>
      tpu.wait_indirect_dma semaphore(%arg24 : memref<!tpu.dma_semaphore, #tpu.memory_space<semaphore_mem>>) src(%arg12 : memref<125x64xf32, #tpu.memory_space<vmem>>) dst(%dma_wait3A_177 : memref<10112x64xf32, #tpu.memory_space<vmem_shared>>)
      %lt3A_178 = arith.constant 39 : i32
      %lt3A_179 = arith.cmpi slt, %scan3A_66, %lt3A_178 : i32
      %convert_element_type3A_180 = arith.extui %lt3A_179 : i1 to i32
      %cond3A_181 = arith.constant 0 : i32
      %cond3A_182 = arith.cmpi ne, %convert_element_type3A_180, %cond3A_181 : i32
      scf.if %cond3A_182 {
        %add3A_184 = arith.constant 3 : i32
        %add3A_185 = arith.addi %add3A_157, %add3A_184 : i32
        %dma_start3A_186 = arith.constant 0 : i32
        %dma_start3A_187 = tpu.memref_slice %arg8[%add3A_185, %dma_start3A_186] : memref<160x125xi32, #tpu.memory_space<vmem>> -> memref<1x125xi32, #tpu.memory_space<vmem>>
        %dma_start3A_188 = tpu.memref_squeeze %dma_start3A_187 : memref<1x125xi32, #tpu.memory_space<vmem>> -> memref<125xi32, #tpu.memory_space<vmem>>
        %dma_start3A_189 = arith.constant 0 : i32
        %dma_start3A_190 = arith.constant 0 : i32
        %dma_start3A_191 = tpu.memref_slice %arg2[%dma_start3A_189, %dma_start3A_190] : memref<20000x64xf32, #tpu.memory_space<hbm>> -> memref<20000x64xf32, #tpu.memory_space<hbm>>
        tpu.enqueue_indirect_dma source(%dma_start3A_191 : memref<20000x64xf32, #tpu.memory_space<hbm>>) target(%arg12 : memref<125x64xf32, #tpu.memory_space<vmem>>) offsets(%dma_start3A_188 : memref<125xi32, #tpu.memory_space<vmem>>) semaphore(%arg20 : memref<!tpu.dma_semaphore, #tpu.memory_space<semaphore_mem>>)
      } else {
      }
      %scan3A_183 = arith.constant 0 : i32
      scf.yield %scan3A_183 : i32
    }
    %scan3A_58 = arith.constant 40 : i32
    %dma_wait3A = arith.constant 0 : i32
    %dma_wait3A_59 = arith.constant 0 : i32
    %dma_wait3A_60 = tpu.memref_slice %arg9[%dma_wait3A, %dma_wait3A_59] : memref<160x125xi32, #tpu.memory_space<vmem>> -> memref<1x125xi32, #tpu.memory_space<vmem>>
    %dma_wait3A_61 = tpu.memref_squeeze %dma_wait3A_60 : memref<1x125xi32, #tpu.memory_space<vmem>> -> memref<125xi32, #tpu.memory_space<vmem>>
    %dma_wait3A_62 = arith.constant 0 : i32
    %dma_wait3A_63 = arith.constant 0 : i32
    %dma_wait3A_64 = tpu.memref_slice %arg16[%dma_wait3A_62, %dma_wait3A_63] : memref<10112x64xf32, #tpu.memory_space<vmem_shared>> -> memref<10112x64xf32, #tpu.memory_space<vmem_shared>>
    tpu.wait_indirect_dma semaphore(%arg25 : memref<!tpu.dma_semaphore, #tpu.memory_space<semaphore_mem>>) src(%arg13 : memref<125x64xf32, #tpu.memory_space<vmem>>) dst(%dma_wait3A_64 : memref<10112x64xf32, #tpu.memory_space<vmem_shared>>)
    %barrier3A_65 = arith.constant 0 : index
    tpu.barrier barrier_id(%barrier3A_65)
    "tpu.region"() ({
      %run_scoped3A = tpu.sem_alloc : memref<!tpu.dma_semaphore, #tpu.memory_space<semaphore_mem>>
      %dma_start3A_66 = arith.constant 0 : i32
      %dma_start3A_67 = tpu.memref_slice %arg6[%arg0, %mul3A_13, %dma_start3A_66] : memref<2x10112x64xf32, #tpu.memory_space<hbm>> -> memref<1x632x64xf32, #tpu.memory_space<hbm>>
      %dma_start3A_68 = tpu.memref_squeeze %dma_start3A_67 : memref<1x632x64xf32, #tpu.memory_space<hbm>> -> memref<632x64xf32, #tpu.memory_space<hbm>>
      %dma_start3A_69 = arith.constant 0 : i32
      %dma_start3A_70 = tpu.memref_slice %arg16[%mul3A_13, %dma_start3A_69] : memref<10112x64xf32, #tpu.memory_space<vmem_shared>> -> memref<632x64xf32, #tpu.memory_space<vmem_shared>>
      tpu.enqueue_dma source(%dma_start3A_70 : memref<632x64xf32, #tpu.memory_space<vmem_shared>>) target(%dma_start3A_68 : memref<632x64xf32, #tpu.memory_space<hbm>>) target_semaphore(%run_scoped3A : memref<!tpu.dma_semaphore, #tpu.memory_space<semaphore_mem>>)
      %dma_wait3A_71 = arith.constant 0 : i32
      %dma_wait3A_72 = tpu.memref_slice %arg6[%arg0, %mul3A_13, %dma_wait3A_71] : memref<2x10112x64xf32, #tpu.memory_space<hbm>> -> memref<1x632x64xf32, #tpu.memory_space<hbm>>
      %dma_wait3A_73 = tpu.memref_squeeze %dma_wait3A_72 : memref<1x632x64xf32, #tpu.memory_space<hbm>> -> memref<632x64xf32, #tpu.memory_space<hbm>>
      %dma_wait3A_74 = arith.constant 0 : i32
      %dma_wait3A_75 = tpu.memref_slice %arg16[%mul3A_13, %dma_wait3A_74] : memref<10112x64xf32, #tpu.memory_space<vmem_shared>> -> memref<632x64xf32, #tpu.memory_space<vmem_shared>>
      tpu.wait_dma2 semaphore(%run_scoped3A : memref<!tpu.dma_semaphore, #tpu.memory_space<semaphore_mem>>) src(%dma_wait3A_75 : memref<632x64xf32, #tpu.memory_space<vmem_shared>>) dst(%dma_wait3A_73 : memref<632x64xf32, #tpu.memory_space<hbm>>)
      tpu.yield
    }) : () -> ()
    return
  }
}

module attributes {stable_mosaic.version = 14 : i64} {
  func.func @body(%arg0: memref<10000x128xf32, #tpu.memory_space<vmem>>, %arg1: memref<128x128xf32, #tpu.memory_space<vmem>>, %arg2: memref<1x128xf32, #tpu.memory_space<vmem>>, %arg3: memref<10000x128xf32, #tpu.memory_space<vmem>>) attributes {dimension_semantics = [], scalar_prefetch = 0 : i64, scratch_operands = 0 : i64, tpu.core_type = #tpu.core_type<tc>} {
    %get3A = arith.constant 0 : index
    %get3A_0 = arith.constant 0 : index
    %get3A_1 = vector.load %arg0[%get3A, %get3A_0] : memref<10000x128xf32, #tpu.memory_space<vmem>>, vector<10000x128xf32>
    %get3A_2 = arith.constant 0 : index
    %get3A_3 = arith.constant 0 : index
    %get3A_4 = vector.load %arg1[%get3A_2, %get3A_3] : memref<128x128xf32, #tpu.memory_space<vmem>>, vector<128x128xf32>
    %dot_general3A = arith.constant dense<0.000000e+00> : vector<10000x128xf32>
    %dot_general3A_5 = tpu.matmul %get3A_1, %get3A_4, %dot_general3A {dimension_numbers = #tpu.dot_dimension_numbers<[1], [0], [0], [1], [0, 0, 1, 1], [], []>, transpose_lhs_hint = false} : vector<10000x128xf32>, vector<128x128xf32>, vector<10000x128xf32> -> vector<10000x128xf32>
    %get3A_6 = arith.constant 0 : index
    %get3A_7 = arith.constant 0 : index
    %get3A_8 = vector.load %arg2[%get3A_6, %get3A_7] : memref<1x128xf32, #tpu.memory_space<vmem>>, vector<1x128xf32>
    %add3A = vector.broadcast %get3A_8 : vector<1x128xf32> to vector<10000x128xf32>
    %add3A_9 = arith.addf %dot_general3A_5, %add3A : vector<10000x128xf32>
    %swap3A = arith.constant 0 : index
    %swap3A_10 = arith.constant 0 : index
    %swap3A_11 = vector.load %arg3[%swap3A, %swap3A_10] : memref<10000x128xf32, #tpu.memory_space<vmem>>, vector<10000x128xf32>
    tpu.vector_store %arg3[%swap3A, %swap3A_10], %add3A_9 {strides = array<i32>} : memref<10000x128xf32, #tpu.memory_space<vmem>>, vector<10000x128xf32>,
    return
  }
}

module attributes {stable_mosaic.version = 14 : i64} {
  func.func @body(%arg0: memref<2x10112x64xf32, #tpu.memory_space<vmem>>, %arg1: memref<10112x16xf32, #tpu.memory_space<vmem>>, %arg2: memref<10000x128xf32, #tpu.memory_space<vmem>>, %arg3: memref<128x128xf32, #tpu.memory_space<vmem>>, %arg4: memref<1x128xf32, #tpu.memory_space<vmem>>, %arg5: memref<1x128xf32, #tpu.memory_space<vmem>>, %arg6: memref<10000x128xf32, #tpu.memory_space<vmem>>, %arg7: memref<2x10000x64xf32, #tpu.memory_space<vmem>>) attributes {dimension_semantics = [], scalar_prefetch = 0 : i64, scratch_operands = 0 : i64, tpu.core_type = #tpu.core_type<tc>} {
    %get3A = arith.constant 0 : index
    %get3A_0 = arith.constant 0 : index
    %get3A_1 = vector.load %arg1[%get3A, %get3A_0] : memref<10112x16xf32, #tpu.memory_space<vmem>>, vector<10000x1xf32>
    %max3A = arith.constant 1.000000e+00 : f32
    %max3A_2 = vector.broadcast %max3A : f32 to vector<10000x1xf32>
    %max3A_3 = arith.maximumf %get3A_1, %max3A_2 : vector<10000x1xf32>
    %div3A = arith.constant 1.000000e+00 : f32
    %div3A_4 = vector.broadcast %div3A : f32 to vector<10000x1xf32>
    %div3A_5 = arith.divf %div3A_4, %max3A_3 : vector<10000x1xf32>
    %get3A_6 = arith.constant 0 : index
    %get3A_7 = arith.constant 0 : index
    %get3A_8 = arith.constant 0 : index
    %get3A_9 = vector.load %arg0[%get3A_6, %get3A_7, %get3A_8] : memref<2x10112x64xf32, #tpu.memory_space<vmem>>, vector<1x10000x64xf32>
    %get3A_10 = vector.shape_cast %get3A_9 : vector<1x10000x64xf32> to vector<10000x64xf32>
    %mul3A = vector.broadcast %div3A_5 : vector<10000x1xf32> to vector<10000x64xf32>
    %mul3A_11 = arith.mulf %get3A_10, %mul3A : vector<10000x64xf32>
    %get3A_12 = arith.constant 1 : index
    %get3A_13 = arith.constant 0 : index
    %get3A_14 = arith.constant 0 : index
    %get3A_15 = vector.load %arg0[%get3A_12, %get3A_13, %get3A_14] : memref<2x10112x64xf32, #tpu.memory_space<vmem>>, vector<1x10000x64xf32>
    %get3A_16 = vector.shape_cast %get3A_15 : vector<1x10000x64xf32> to vector<10000x64xf32>
    %mul3A_17 = vector.broadcast %div3A_5 : vector<10000x1xf32> to vector<10000x64xf32>
    %mul3A_18 = arith.mulf %get3A_16, %mul3A_17 : vector<10000x64xf32>
    %get3A_19 = arith.constant 0 : index
    %get3A_20 = arith.constant 0 : index
    %get3A_21 = vector.load %arg3[%get3A_19, %get3A_20] : memref<128x128xf32, #tpu.memory_space<vmem>>, vector<64x128xf32>
    %dot_general3A = arith.constant dense<0.000000e+00> : vector<10000x128xf32>
    %dot_general3A_22 = tpu.matmul %mul3A_11, %get3A_21, %dot_general3A {dimension_numbers = #tpu.dot_dimension_numbers<[1], [0], [0], [1], [0, 0, 1, 1], [], []>, transpose_lhs_hint = false} : vector<10000x64xf32>, vector<64x128xf32>, vector<10000x128xf32> -> vector<10000x128xf32>
    %get3A_23 = arith.constant 64 : index
    %get3A_24 = arith.constant 0 : index
    %get3A_25 = vector.load %arg3[%get3A_23, %get3A_24] : memref<128x128xf32, #tpu.memory_space<vmem>>, vector<64x128xf32>
    %dot_general3A_26 = arith.constant dense<0.000000e+00> : vector<10000x128xf32>
    %dot_general3A_27 = tpu.matmul %mul3A_18, %get3A_25, %dot_general3A_26 {dimension_numbers = #tpu.dot_dimension_numbers<[1], [0], [0], [1], [0, 0, 1, 1], [], []>, transpose_lhs_hint = false} : vector<10000x64xf32>, vector<64x128xf32>, vector<10000x128xf32> -> vector<10000x128xf32>
    %add3A = arith.addf %dot_general3A_22, %dot_general3A_27 : vector<10000x128xf32>
    %get3A_28 = arith.constant 0 : index
    %get3A_29 = arith.constant 0 : index
    %get3A_30 = vector.load %arg2[%get3A_28, %get3A_29] : memref<10000x128xf32, #tpu.memory_space<vmem>>, vector<10000x128xf32>
    %add3A_31 = arith.addf %add3A, %get3A_30 : vector<10000x128xf32>
    %reduce_sum3A = arith.constant dense<0.000000e+00> : vector<128xf32>
    %reduce_sum3A_32 = vector.multi_reduction <add>, %add3A_31, %reduce_sum3A [0] : vector<10000x128xf32> to vector<128xf32>
    %broadcast_in_dim3A = vector.shape_cast %reduce_sum3A_32 : vector<128xf32> to vector<1x128xf32>
    %div3A_33 = arith.constant 1.000000e+04 : f32
    %div3A_34 = vector.broadcast %div3A_33 : f32 to vector<1x128xf32>
    %div3A_35 = arith.divf %broadcast_in_dim3A, %div3A_34 : vector<1x128xf32>
    %sub3A = vector.broadcast %div3A_35 : vector<1x128xf32> to vector<10000x128xf32>
    %sub3A_36 = arith.subf %add3A_31, %sub3A : vector<10000x128xf32>
    %sub3A_37 = vector.broadcast %div3A_35 : vector<1x128xf32> to vector<10000x128xf32>
    %sub3A_38 = arith.subf %add3A_31, %sub3A_37 : vector<10000x128xf32>
    %mul3A_39 = arith.mulf %sub3A_36, %sub3A_38 : vector<10000x128xf32>
    %reduce_sum3A_40 = arith.constant dense<0.000000e+00> : vector<128xf32>
    %reduce_sum3A_41 = vector.multi_reduction <add>, %mul3A_39, %reduce_sum3A_40 [0] : vector<10000x128xf32> to vector<128xf32>
    %broadcast_in_dim3A_42 = vector.shape_cast %reduce_sum3A_41 : vector<128xf32> to vector<1x128xf32>
    %div3A_43 = arith.constant 1.000000e+04 : f32
    %div3A_44 = vector.broadcast %div3A_43 : f32 to vector<1x128xf32>
    %div3A_45 = arith.divf %broadcast_in_dim3A_42, %div3A_44 : vector<1x128xf32>
    %sub3A_46 = vector.broadcast %div3A_35 : vector<1x128xf32> to vector<10000x128xf32>
    %sub3A_47 = arith.subf %add3A_31, %sub3A_46 : vector<10000x128xf32>
    %add3A_48 = arith.constant 9.99999974E-6 : f32
    %add3A_49 = vector.broadcast %add3A_48 : f32 to vector<1x128xf32>
    %add3A_50 = arith.addf %div3A_45, %add3A_49 : vector<1x128xf32>
    %sqrt3A = math.sqrt %add3A_50 : vector<1x128xf32>
    %div3A_51 = vector.broadcast %sqrt3A : vector<1x128xf32> to vector<10000x128xf32>
    %div3A_52 = arith.divf %sub3A_47, %div3A_51 : vector<10000x128xf32>
    %get3A_53 = arith.constant 0 : index
    %get3A_54 = arith.constant 0 : index
    %get3A_55 = vector.load %arg4[%get3A_53, %get3A_54] : memref<1x128xf32, #tpu.memory_space<vmem>>, vector<1x128xf32>
    %mul3A_56 = vector.broadcast %get3A_55 : vector<1x128xf32> to vector<10000x128xf32>
    %mul3A_57 = arith.mulf %div3A_52, %mul3A_56 : vector<10000x128xf32>
    %get3A_58 = arith.constant 0 : index
    %get3A_59 = arith.constant 0 : index
    %get3A_60 = vector.load %arg5[%get3A_58, %get3A_59] : memref<1x128xf32, #tpu.memory_space<vmem>>, vector<1x128xf32>
    %add3A_61 = vector.broadcast %get3A_60 : vector<1x128xf32> to vector<10000x128xf32>
    %add3A_62 = arith.addf %mul3A_57, %add3A_61 : vector<10000x128xf32>
    %ge3A = arith.constant 0.000000e+00 : f32
    %ge3A_63 = vector.broadcast %ge3A : f32 to vector<10000x128xf32>
    %ge3A_64 = arith.cmpf oge, %add3A_62, %ge3A_63 : vector<10000x128xf32>
    %mul3A_65 = arith.constant 0.00999999977 : f32
    %mul3A_66 = vector.broadcast %mul3A_65 : f32 to vector<10000x128xf32>
    %mul3A_67 = arith.mulf %mul3A_66, %add3A_62 : vector<10000x128xf32>
    %select_n3A = arith.select %ge3A_64, %add3A_62, %mul3A_67 : vector<10000x128xi1>, vector<10000x128xf32>
    %swap3A = arith.constant 0 : index
    %swap3A_68 = arith.constant 0 : index
    %swap3A_69 = vector.load %arg6[%swap3A, %swap3A_68] : memref<10000x128xf32, #tpu.memory_space<vmem>>, vector<10000x128xf32>
    tpu.vector_store %arg6[%swap3A, %swap3A_68], %select_n3A {strides = array<i32>} : memref<10000x128xf32, #tpu.memory_space<vmem>>, vector<10000x128xf32>,
    %slice3A = vector.extract_strided_slice %select_n3A {offsets = [0, 0], sizes = [10000, 64], strides = [1, 1]} : vector<10000x128xf32> to vector<10000x64xf32>
    %swap3A_70 = arith.constant 0 : index
    %swap3A_71 = arith.constant 0 : index
    %swap3A_72 = arith.constant 0 : index
    %swap3A_73 = vector.load %arg7[%swap3A_70, %swap3A_71, %swap3A_72] : memref<2x10000x64xf32, #tpu.memory_space<vmem>>, vector<1x10000x64xf32>
    %swap3A_74 = vector.shape_cast %swap3A_73 : vector<1x10000x64xf32> to vector<10000x64xf32>
    %swap3A_75 = vector.shape_cast %slice3A : vector<10000x64xf32> to vector<1x10000x64xf32>
    tpu.vector_store %arg7[%swap3A_70, %swap3A_71, %swap3A_72], %swap3A_75 {strides = array<i32>} : memref<2x10000x64xf32, #tpu.memory_space<vmem>>, vector<1x10000x64xf32>,
    %slice3A_76 = vector.extract_strided_slice %select_n3A {offsets = [0, 64], sizes = [10000, 64], strides = [1, 1]} : vector<10000x128xf32> to vector<10000x64xf32>
    %swap3A_77 = arith.constant 1 : index
    %swap3A_78 = arith.constant 0 : index
    %swap3A_79 = arith.constant 0 : index
    %swap3A_80 = vector.load %arg7[%swap3A_77, %swap3A_78, %swap3A_79] : memref<2x10000x64xf32, #tpu.memory_space<vmem>>, vector<1x10000x64xf32>
    %swap3A_81 = vector.shape_cast %swap3A_80 : vector<1x10000x64xf32> to vector<10000x64xf32>
    %swap3A_82 = vector.shape_cast %slice3A_76 : vector<10000x64xf32> to vector<1x10000x64xf32>
    tpu.vector_store %arg7[%swap3A_77, %swap3A_78, %swap3A_79], %swap3A_82 {strides = array<i32>} : memref<2x10000x64xf32, #tpu.memory_space<vmem>>, vector<1x10000x64xf32>,
    return
  }
}

module attributes {stable_mosaic.version = 14 : i64} {
  func.func @body(%arg0: memref<2x10112x64xf32, #tpu.memory_space<vmem>>, %arg1: memref<10112x16xf32, #tpu.memory_space<vmem>>, %arg2: memref<10000x128xf32, #tpu.memory_space<vmem>>, %arg3: memref<128x128xf32, #tpu.memory_space<vmem>>, %arg4: memref<10000x128xf32, #tpu.memory_space<vmem>>) attributes {dimension_semantics = [], scalar_prefetch = 0 : i64, scratch_operands = 0 : i64, tpu.core_type = #tpu.core_type<tc>} {
    %get3A = arith.constant 0 : index
    %get3A_0 = arith.constant 0 : index
    %get3A_1 = vector.load %arg1[%get3A, %get3A_0] : memref<10112x16xf32, #tpu.memory_space<vmem>>, vector<10000x1xf32>
    %max3A = arith.constant 1.000000e+00 : f32
    %max3A_2 = vector.broadcast %max3A : f32 to vector<10000x1xf32>
    %max3A_3 = arith.maximumf %get3A_1, %max3A_2 : vector<10000x1xf32>
    %div3A = arith.constant 1.000000e+00 : f32
    %div3A_4 = vector.broadcast %div3A : f32 to vector<10000x1xf32>
    %div3A_5 = arith.divf %div3A_4, %max3A_3 : vector<10000x1xf32>
    %get3A_6 = arith.constant 0 : index
    %get3A_7 = arith.constant 0 : index
    %get3A_8 = arith.constant 0 : index
    %get3A_9 = vector.load %arg0[%get3A_6, %get3A_7, %get3A_8] : memref<2x10112x64xf32, #tpu.memory_space<vmem>>, vector<1x10000x64xf32>
    %get3A_10 = vector.shape_cast %get3A_9 : vector<1x10000x64xf32> to vector<10000x64xf32>
    %mul3A = vector.broadcast %div3A_5 : vector<10000x1xf32> to vector<10000x64xf32>
    %mul3A_11 = arith.mulf %get3A_10, %mul3A : vector<10000x64xf32>
    %get3A_12 = arith.constant 1 : index
    %get3A_13 = arith.constant 0 : index
    %get3A_14 = arith.constant 0 : index
    %get3A_15 = vector.load %arg0[%get3A_12, %get3A_13, %get3A_14] : memref<2x10112x64xf32, #tpu.memory_space<vmem>>, vector<1x10000x64xf32>
    %get3A_16 = vector.shape_cast %get3A_15 : vector<1x10000x64xf32> to vector<10000x64xf32>
    %mul3A_17 = vector.broadcast %div3A_5 : vector<10000x1xf32> to vector<10000x64xf32>
    %mul3A_18 = arith.mulf %get3A_16, %mul3A_17 : vector<10000x64xf32>
    %get3A_19 = arith.constant 0 : index
    %get3A_20 = arith.constant 0 : index
    %get3A_21 = vector.load %arg3[%get3A_19, %get3A_20] : memref<128x128xf32, #tpu.memory_space<vmem>>, vector<64x128xf32>
    %dot_general3A = arith.constant dense<0.000000e+00> : vector<10000x128xf32>
    %dot_general3A_22 = tpu.matmul %mul3A_11, %get3A_21, %dot_general3A {dimension_numbers = #tpu.dot_dimension_numbers<[1], [0], [0], [1], [0, 0, 1, 1], [], []>, transpose_lhs_hint = false} : vector<10000x64xf32>, vector<64x128xf32>, vector<10000x128xf32> -> vector<10000x128xf32>
    %get3A_23 = arith.constant 64 : index
    %get3A_24 = arith.constant 0 : index
    %get3A_25 = vector.load %arg3[%get3A_23, %get3A_24] : memref<128x128xf32, #tpu.memory_space<vmem>>, vector<64x128xf32>
    %dot_general3A_26 = arith.constant dense<0.000000e+00> : vector<10000x128xf32>
    %dot_general3A_27 = tpu.matmul %mul3A_18, %get3A_25, %dot_general3A_26 {dimension_numbers = #tpu.dot_dimension_numbers<[1], [0], [0], [1], [0, 0, 1, 1], [], []>, transpose_lhs_hint = false} : vector<10000x64xf32>, vector<64x128xf32>, vector<10000x128xf32> -> vector<10000x128xf32>
    %add3A = arith.addf %dot_general3A_22, %dot_general3A_27 : vector<10000x128xf32>
    %get3A_28 = arith.constant 0 : index
    %get3A_29 = arith.constant 0 : index
    %get3A_30 = vector.load %arg2[%get3A_28, %get3A_29] : memref<10000x128xf32, #tpu.memory_space<vmem>>, vector<10000x128xf32>
    %add3A_31 = arith.addf %add3A, %get3A_30 : vector<10000x128xf32>
    %swap3A = arith.constant 0 : index
    %swap3A_32 = arith.constant 0 : index
    %swap3A_33 = vector.load %arg4[%swap3A, %swap3A_32] : memref<10000x128xf32, #tpu.memory_space<vmem>>, vector<10000x128xf32>
    tpu.vector_store %arg4[%swap3A, %swap3A_32], %add3A_31 {strides = array<i32>} : memref<10000x128xf32, #tpu.memory_space<vmem>>, vector<10000x128xf32>,
    return
  }
}

</mosaic_0001>

<sc_bundles>
// kernel: kernel.11.cloned.1.call-start
scs
__scs_entry_jumppad:
0x0: {  	(pc) =	sbr.rel $0x88, $3  }
0x1: {  	(tag) =	ssettag $0x0;
	lr =	simm.s32 $0x1  }
0x2: {  	[smem:$0x3F97] =	sst lr;
	_ =	strace $0xD0000000  }
0x3: {  	_ = 	snop  }
0x4: {  	_ = 	snop  }
0x5: {  	_ = 	snop  }
0x6: {  	_ = 	snop  }
0x7: {  	_ = 	snop  }
__scs_overlays_trampoline_lowered:
0x8: {  	[smem:$0x3FA6] =	sst s0  }
0x9: {  	[smem:$0x3FA7] =	sst s1  }
0xa: {  	[smem:$0x3FA8] =	sst s2  }
0xb: {  	[smem:$0x3FA9] =	sst s3  }
0xc: {  	[smem:$0x3FAA] =	sst s4  }
0xd: {  	[smem:$0x3FAB] =	sst s5  }
0xe: {  	[smem:$0x3FAC] =	sst s6  }
0xf: {  	[smem:$0x3FAD] =	sst s7  }
0x10: {  	[smem:$0x3FAE] =	sst s8  }
0x11: {  	[smem:$0x3FAF] =	sst s9;
	s0 =	simm.s32 @!p0 $0x0  }
0x12: {  	s1 =	sld [smem:$0x3F95];
	s0 =	simm.s32 @p0 $0x1  }
0x13: {  	[smem:$0x3FB0] =	sst s0;
	s0 =	simm.s32 @!p1 $0x0  }
0x14: {  	s2 =	sld [smem:$0x3F94];
	s0 =	simm.s32 @p1 $0x1  }
0x15: {  	[smem:$0x3FB1] =	sst s0;
	s0 =	simm.s32 @!p2 $0x0  }
0x16: {  	s3 =	sld [smem:$0x3FDB];
	s0 =	simm.s32 @p2 $0x1  }
0x17: {  	s4 =	simm.s32 $0x1BF5;
	[smem:$0x3FB3] =	sst s0  }
0x18: {  	s0 =	sld [smem:$0x3F96];
	_ =	swait.ge [sflag:s4], $0x0  }
0x19: {  	s7 =	sld [smem:$0x3F97]  }
0x1a: {  	s8 =	sadd.s32 $0xFFFFE003, lr  }
0x1b: {  	s9 =	sadd.s32 $0xFFFFFEF7, lr;
	s5 =	simm.s32 $0xFFFFFFFF;
	p2 =	slt.u32 s8, $0xFFFFF086  }
0x1c: {  	p1 =	slt.u32 s9, $0xF7A;
	s5 =	simm.s32 @!p2 $0x0  }
0x1d: {  	s5 =	simm.s32 @p1 $0x1;
	p0 =	seq.s32 s7, s2  }
0x1e: {  	s7 =	smul.u32 @!p0 $0xF7A, s2;
	p2 =	seq.s32 @!p0 s5, $0x0  }
0x1f: {  	s9 =	smul.u32 $0xF7A, s1;
	s8 =	simm.s32 @!p0 $0x1BF5;
	p2 =	por !p2, p0  }
0x20: {  	[sflag:s8] =	ssyncset.s32 @!p0 $0xFFFFF086;
	s6 =	sadd.s32 @!p0 s3, s7;
	s7 =	simm.s32 @!p0 $0x108  }
0x21: {  	s3 =	sadd.s32 s3, s9;
	s6 =	sadd.s32 @!p0 $0x88, s6;
	s7 =	simm.s32 @p2 $0x1082  }
0x22: {  	[simem:s7], [sflag:s8] =	dma.local @!p0 [hbm:s6], $0xF7A  }
0x23: {  	s9 =	sor.u32 $0xD0000000, s2;
	s6 =	simm.s32 $0x108;
	_ =	swait.ge @!p0 [sflag:s8], $0x0  }
0x24: {  	s3 =	sadd.s32 $0x88, s3;
	s6 =	simm.s32 @!p1 $0x1082;
	[sflag:s4] =	ssyncset.s32 $0xFFFFF086  }
0x25: {  	[simem:s6], [sflag:s4] =	dma.local [hbm:s3], $0xF7A  }
0x26: {  	[smem:$0x3F97] =	sst s1;
	(tag) =	ssettag s2;
	_ =	strace s9  }
0x27: {  	s1 =	sld [smem:$0x3FA7]  }
0x28: {  	s2 =	sld [smem:$0x3FA8]  }
0x29: {  	s4 =	sld [smem:$0x3FAA]  }
0x2a: {  	p0 =	seq.s32 s5, $0x0;
	s5 =	sld [smem:$0x3FAB]  }
0x2b: {  	s6 =	sld [smem:$0x3FAC]  }
0x2c: {  	s7 =	sld [smem:$0x3FAD]  }
0x2d: {  	s3 =	simm.s32 $0x108;
	s8 =	sld [smem:$0x3FAE]  }
0x2e: {  	s3 =	simm.s32 @!p0 $0x1082;
	s9 =	sld [smem:$0x3FAF]  }
0x2f: {  	lr =	sadd.s32 s0, s3;
	s0 =	sld [smem:$0x3FA6]  }
0x30: {  	s3 =	sld [smem:$0x3FA9]  }
0x31: {  	[smem:$0x3FB2] =	sst s10  }
0x32: {  	s10 =	sld [smem:$0x3FB0];
	_ =	sdelay $0x3  }
0x33: {  	p0 =	seq.s32 s10, $0x1;
	s10 =	sld [smem:$0x3FB2];
	_ =	sdelay $0x3  }
0x34: {  	[smem:$0x3FB2] =	sst s10  }
0x35: {  	s10 =	sld [smem:$0x3FB1];
	_ =	sdelay $0x3  }
0x36: {  	p1 =	seq.s32 s10, $0x1;
	s10 =	sld [smem:$0x3FB2];
	_ =	sdelay $0x3  }
0x37: {  	[smem:$0x3FB2] =	sst s10  }
0x38: {  	s10 =	sld [smem:$0x3FB3]  }
0x39: {  	_ = 	snop;
	(pc) =	sbr.ind lr, $3  }
0x3a: {  	_ = 	snop  }
0x3b: {  	_ = 	snop  }
0x3c: {  	p2 =	seq.s32 s10, $0x1;
	s10 =	sld [smem:$0x3FB2]  }
0x3d: {  	_ =	shalt  }
0x3e: {  	_ =	shalt  }
0x3f: {  	_ =	shalt  }
0x40: {  	_ =	shalt  }
0x41: {  	_ =	shalt  }
0x42: {  	_ =	shalt  }
0x43: {  	_ =	shalt  }
0x44: {  	_ =	shalt  }
0x45: {  	_ =	shalt  }
0x46: {  	_ =	shalt  }
0x47: {  	_ =	shalt  }
0x48: {  	_ =	shalt  }
0x49: {  	_ =	shalt  }
0x4a: {  	_ =	shalt  }
0x4b: {  	_ =	shalt  }
0x4c: {  	_ =	shalt  }
0x4d: {  	_ =	shalt  }
0x4e: {  	_ =	shalt  }
0x4f: {  	_ =	shalt  }
0x50: {  	_ =	shalt  }
0x51: {  	_ =	shalt  }
0x52: {  	_ =	shalt  }
0x53: {  	_ =	shalt  }
0x54: {  	_ =	shalt  }
0x55: {  	_ =	shalt  }
0x56: {  	_ =	shalt  }
0x57: {  	_ =	shalt  }
0x58: {  	_ =	shalt  }
0x59: {  	_ =	shalt  }
0x5a: {  	_ =	shalt  }
0x5b: {  	_ =	shalt  }
0x5c: {  	_ =	shalt  }
0x5d: {  	_ =	shalt  }
0x5e: {  	_ =	shalt  }
0x5f: {  	_ =	shalt  }
0x60: {  	_ =	shalt  }
0x61: {  	_ =	shalt  }
0x62: {  	_ =	shalt  }
0x63: {  	_ =	shalt  }
0x64: {  	_ =	shalt  }
0x65: {  	_ =	shalt  }
0x66: {  	_ =	shalt  }
0x67: {  	_ =	shalt  }
0x68: {  	_ =	shalt  }
0x69: {  	_ =	shalt  }
0x6a: {  	_ =	shalt  }
0x6b: {  	_ =	shalt  }
0x6c: {  	_ =	shalt  }
0x6d: {  	_ =	shalt  }
0x6e: {  	_ =	shalt  }
0x6f: {  	_ =	shalt  }
0x70: {  	_ =	shalt  }
0x71: {  	_ =	shalt  }
0x72: {  	_ =	shalt  }
0x73: {  	_ =	shalt  }
0x74: {  	_ =	shalt  }
0x75: {  	_ =	shalt  }
0x76: {  	_ =	shalt  }
0x77: {  	_ =	shalt  }
0x78: {  	_ =	shalt  }
0x79: {  	_ =	shalt  }
0x7a: {  	_ =	shalt  }
0x7b: {  	_ =	shalt  }
0x7c: {  	_ =	shalt  }
0x7d: {  	_ =	shalt  }
0x7e: {  	_ =	shalt  }
0x7f: {  	_ =	shalt  }
0x80: {  	_ =	shalt  }
0x81: {  	_ =	shalt  }
0x82: {  	_ =	shalt  }
0x83: {  	_ =	shalt  }
0x84: {  	_ =	shalt  }
0x85: {  	_ =	shalt  }
0x86: {  	_ =	shalt  }
0x87: {  	_ =	shalt  }
.Lfunc_end0:
.L_simem_size_0:
called_computation.1_lowered:
.L_overlay_start_0:
0x88: {  	s2 =	sld [smem:$0x3FD9]  }
0x89: {  	s3 =	sld [smem:$0x3FFE];
	_ =	sdelay $0x1  }
0x8a: {  	s1 =	srdreg.scid  }
0x8b: {  	s0 =	sand.u32 $0x1, s1  }
0x8c: {  	s17 =	sshll.u32 s0, $0xA;
	s2 =	sadd.s32 s3, s2  }
0x8d: {  	s2 =	sadd.s32 s2, s17  }
0x8e: {  	[smem:$0x3FBE] =	sst s2  }
0x8f: {  	_ = 	snop  }
0x90: {  	s2 =	sld [smem:$0x3FD0];
	(tm) =	ssettm $0x1  }
0x91: {  	s18 =	sld [smem:$0x3FFB];
	_ =	sdelay $0x3  }
0x92: {  	_ =	strace s18  }
0x93: {  	s3 =	sld [smem:$0x3FFC];
	_ =	sdelay $0x3  }
0x94: {  	_ =	strace s3  }
0x95: {  	s3 =	sld [smem:$0x3FFD];
	_ =	sdelay $0x3  }
0x96: {  	_ =	strace s3  }
0x97: {  	_ =	strace $0x8FFFFFFF  }
0x98: {  	s19 =	sld [smem:$0x3FDB];
	_ =	sdelay $0x1  }
0x99: {  	s4 =	simm.s32 $_scs_section_size  }
0x9a: {  	s5 =	simm.s32 $_size__tile_overlayer_lowered;
	s6 =	simm.s32 $_tile_overlayer_lowered  }
0x9b: {  	s22 =	simm.s32 $0x1BFF;
	s21 =	sshll.u32 s6, $0x1;
	s3 =	sadd.s32 s4, s19  }
0x9c: {  	s7 =	simm.s32 $0x0;
	s20 =	sshll.u32 s5, $0x1;
	s5 =	sadd.s32 s21, s3  }
0x9d: {  	[timem:s7], [sflag:s22] =	dma.local [hbm:s5], s20  }
0x9e: {  	_ =	swait.ge [sflag:s22], s20  }
0x9f: {  	s4 =	ssub.s32 $0x0, s20;
	[sflag:s22] =	ssyncset.done $0x0  }
0xa0: {  	[sflag:s22] =	ssyncadd.s32 s4;
	_ =	sdelay $0x1  }
0xa1: {  	s23 =	simm.s32 $0x1B8B  }
0xa2: {  	_ =	swait.ge [sflag:s23], $0x1  }
0xa3: {  	[sflag:s23] =	ssyncset.done $0x0  }
0xa4: {  	s25 =	simm.s32 $0x1B8E;
	s24 =	sld [smem:$0x3FFE];
	[sflag:s23] =	ssyncadd.s32 $0xFFFFFFFF  }
0xa5: {  	s26 =	simm.s32 $execute0_lowered;
	[smem:$0x3FD2] =	sst s25  }
0xa6: {  	s5 =	sshll.u32 s26, $0x1;
	_ =	strace $0x80000049;
	[dreg:$0x1] =	wrdreg $0xFFFFFFFF  }
0xa7: {  	s28 =	simm.s32 $_size_execute0_lowered;
	s3 =	sadd.s32 s3, s5;
	[dreg:$0x0] =	wrdreg $0x0  }
0xa8: {  	s5 =	sshll.u32 s28, $0x1;
	[dreg:$0x2] =	wrdreg s3  }
0xa9: {  	[dreg:$0x3] =	wrdreg s5  }
0xaa: {  	[dreg:$0x4] =	wrdreg $0xC0  }
0xab: {  	_ =	task [dreg:s7], $0x5FFFF  }
0xac: {  	[dreg:$0x1] =	wrdreg $0xFFFFFFFF  }
0xad: {  	[dreg:$0x0] =	wrdreg $0x60  }
0xae: {  	[dreg:$0x2] =	wrdreg s2  }
0xaf: {  	[dreg:$0x3] =	wrdreg s24  }
0xb0: {  	[dreg:$0x4] =	wrdreg $0x124D00  }
0xb1: {  	[dreg:$0x5] =	wrdreg $0x9  }
0xb2: {  	_ =	task.clear_ibuf [dreg:s7], $0x6FFFF;
	_ =	strace $0x90000049  }
0xb3: {  	s29 =	simm.s32 $0x9;
	_ =	strace $0x8000004B  }
0xb4: {  	_ =	swait.ge [sflag:s29], $0x1  }
0xb5: {  	[sflag:s29] =	ssyncadd.s32 $0xFFFFFFFF  }
0xb6: {  	_ =	strace $0x9000004B  }
0xb7: {  	_ =	sfence  }
0xb8: {  	s30 =	sld [smem:$0x0];
	_ =	sdelay $0x2  }
0xb9: {  	s31 =	sshll.u32 s1, $0xD;
	s1 =	sshrl.u32 s1, $0x2  }
0xba: {  	s3 =	sand.u32 $0x4000, s31;
	s1 =	sadd.s32 s1, s30  }
0xbb: {  	s0 =	sor.u32 s3, s0;
	s1 =	sshll.u32 s1, $0x11  }
0xbc: {  	s0 =	sor.u32 s1, s0  }
0xbd: {  	s0 =	sadd.s32 $0x8F2B, s0  }
0xbe: {  	[sflag:s0] =	ssyncadd.remote.s32 $0x1  }
0xbf: {  	_ =	sfence.sel $0xFFFF  }
0xc0: {  	[dreg:$0x0] =	wrdreg $0xFFFFFFFF;
	(pc) =	sbr.abs _section_cstart, $3  }
0xc1: {  	[dreg:$0x1] =	wrdreg $0xFFFFFFFF  }
0xc2: {  	_ =	task.clear_ibuf [dreg:s7], $0x2FFFF;
	_ =	strace $0x9FFFFFFF  }
0xc3: {  	(tm) =	ssettm $0x7FFFFFFF  }
tec
execute0_lowered:
.L_overlay_start_1:
0x0: {  	(tag) =	ssettag $0x1  }
0x1: {  	s1 =	rddreg [dreg:$0x0]  }
0x2: {  	s0 =	rddreg [dreg:$0x1];
	s8 =	stileid.u32  }
0x3: {  	s2 =	srdreg.scid;
	s3 =	rddreg [dreg:$0x2];
	s4 =	simm.s32 $0x0  }
0x4: {  	s15 =	simm.s32 $0xA000;
	s16 =	simm.s32 $0x9;
	s17 =	simm.s32 $0x5000  }
0x5: {  	s18 =	simm.s32 $0x7D;
	s20 =	simm.s32 $0xBF40;
	s22 =	simm.s32 $0xDE80  }
0x6: {  	s29 =	simm.s32 $0x5;
	s31 =	simm.s32 $0x3;
	s5 =	smul.u32 $0x9E00, s8  }
0x7: {  	s21 =	simm.s32 $0x4;
	s28 =	simm.s32 $0x7;
	s7 =	smul.u32 $0xA00, s8  }
0x8: {  	s2 =	sand.u32 $0x1, s2;
	[smem:$0x7FF] =	sst s4;
	s8 =	smul.u32 $0x27800, s8  }
0x9: {  	s6 =	smul.u32 $0x9E000, s2;
	_ =	strace $0x8000004A;
	s23 =	ssub.s32 $0x2, s2  }
0xa: {  	p0 =	seq.s32 s2, $0x1;
	s2 =	simm.s32 $0x16600;
	s14 =	sadd.s32 s7, s0  }
0xb: {  	s24 =	sshrl.u32 s23, $0x1;
	s8 =	sshrl.u32 s8, $0x2;
	s2 =	simm.s32 @!p0 $0x2600  }
0xc: {  	s6 =	sadd.s32 s5, s6;
	s13 =	ssub.s32 s23, s24;
	s5 =	sadd.s32 s5, s3  }
0xd: {  	s10 =	sadd.s32 s8, s3;
	s11 =	sadd.s32 $0xC600, s14;
	s14 =	sadd.s32 s2, s14  }
0xe: {  	s23 =	simm.s32 $0x1;
	s2 =	simm.s32 $0x8;
	s6 =	sshrl.u32 s6, $0x3  }
.Ltmp0:
0xf: {  	s25 =	sadd.s32 $0x1F40, s10;
	s26 =	sadd.s32 $0x3E80, s10;
	(pc) =	sbr.rel .LBB2_1-.Ltmp0, $4  }
0x10: {  	s30 =	sadd.s32 $0x5DC0, s10;
	s9 =	sadd.s32 $0x7D00, s10;
	[dreg:$0x4] =	wrdreg s25  }
0x11: {  	s10 =	sadd.s32 $0x9C40, s10;
	s13 =	smax.u32 s13, $0x1;
	[dreg:$0x5] =	wrdreg s26  }
0x12: {  	s0 =	sadd.s32 s6, s0;
	[dreg:$0x6] =	wrdreg s30;
	s25 =	simm.s32 $0xFDC0  }
0x13: {  	v0 =	vimm.f32 $0.0e+00;
	s26 =	simm.s32 $0x2;
	s12 =	sadd.s32 $0x25600, s0;
	s0 =	simm.s32 $0x6  }
.LBB2_8:
0x14: {  	_ =	swait.ge [sflag:s2], $0x1F40;
	s6 =	stileid.u32  }
0x15: {  	s7 =	sshrl.u32 s5, $0x3;
	s4 =	sadd.s32 $0x1, s4;
	[sflag:s2] =	ssyncset.done $0x0  }
0x16: {  	s6 =	sshll.u32 s6, $0x6;
	p0 =	sne.s32 s4, s13;
	[sflag:s2] =	ssyncadd.s32 $0xFFFFE0C0  }
.Ltmp1:
0x17: {  	s6 =	sor.u32 $0x1C09, s6;
	[bflag:$0x0] =	sbarrier.arrive $0xFFFF;
	(pc) =	sbr.rel @!p0 .LBB2_9-.Ltmp1, $4  }
0x18: {  	[hbm:s12], [sflag:s6] =	dma.local [spmem:s7], $0x13C0  }
0x19: {  	_ =	swait.ge [sflag:s16], $0x13C0  }
0x1a: {  	[sflag:s16] =	ssyncset.done $0x0  }
0x1b: {  	[sflag:s16] =	ssyncadd.s32 $0xFFFFEC40  }
.LBB2_1:
0x1c: {  	s19 =	simm.s32 $0x0  }
.LBB2_2:
0x1d: {  	p0 =	sne.s32 s19, $0x7C00  }
.Ltmp2:
0x1e: {  	s24 =	sshra.s32 s19, $0x2;
	(pc) =	sbr.rel @p0 .LBB2_2-.Ltmp2, $4  }
0x1f: {  	[tilespmem:s24+$0xA000] =	vst v0  }
0x20: {  	[tilespmem:s24+$0xA010] =	vst v0  }
0x21: {  	[tilespmem:s24+$0xA020] =	vst v0  }
0x22: {  	s19 =	sadd.s32 $0x100, s19;
	[tilespmem:s24+$0xA030] =	vst v0  }
0x23: {  	s19 =	simm.s32 $0x40;
	s24 =	simm.s32 $0x0  }
.LBB2_4:
0x24: {  	p0 =	sne.s32 s19, $0x1F00;
	[tilespmem:s24+$0x11D00] =	vst v0;
	s24 =	smov.u32 s19;
	s19 =	sadd.s32 $0x40, s19  }
.Ltmp3:
0x25: {  	(pc) =	sbr.rel @p0 .LBB2_4-.Ltmp3, $2  }
0x26: {  	_ =	sdelay $0x2  }
0x27: {  	s24 =	sshra.s32 s24, $0x2  }
0x28: {  	[tilespmem:s24+$0x11D00] =	vst v0  }
0x29: {  	[spmem:s5] =	stream.linear.scatter [tilespmem:s15], [sflag:$0x9], $0x1F40, $0x38;
	[tilespmem:$0x1C2D0] =	vst v63  }
0x2a: {  	_ =	swait.ge [sflag:s16], $0x1F40  }
0x2b: {  	[sflag:s16] =	ssyncset.done $0x0  }
0x2c: {  	s6 =	rddreg [dreg:$0x4];
	[sflag:s16] =	ssyncadd.s32 $0xFFFFE0C0  }
0x2d: {  	[spmem:s6] =	stream.linear.scatter [tilespmem:s15], [sflag:$0x9], $0x1F40, $0x38;
	[tilespmem:$0x1C2D0] =	vst v63  }
0x2e: {  	_ =	swait.ge [sflag:s16], $0x1F40  }
0x2f: {  	[sflag:s16] =	ssyncset.done $0x0  }
0x30: {  	s19 =	rddreg [dreg:$0x5];
	[sflag:s16] =	ssyncadd.s32 $0xFFFFE0C0  }
0x31: {  	[spmem:s19] =	stream.linear.scatter [tilespmem:s15], [sflag:$0x9], $0x1F40, $0x38;
	[tilespmem:$0x1C2D0] =	vst v63  }
0x32: {  	_ =	swait.ge [sflag:s16], $0x1F40  }
0x33: {  	[sflag:s16] =	ssyncset.done $0x0  }
0x34: {  	s24 =	rddreg [dreg:$0x6];
	[sflag:s16] =	ssyncadd.s32 $0xFFFFE0C0  }
0x35: {  	[spmem:s24] =	stream.linear.scatter [tilespmem:s15], [sflag:$0x9], $0x1F40, $0x38;
	[tilespmem:$0x1C2D0] =	vst v63  }
0x36: {  	_ =	swait.ge [sflag:s16], $0x1F40  }
0x37: {  	[sflag:s16] =	ssyncset.done $0x0  }
0x38: {  	[sflag:s16] =	ssyncadd.s32 $0xFFFFE0C0  }
0x39: {  	[spmem:s9] =	stream.linear.scatter [tilespmem:s15], [sflag:$0x9], $0x1F40, $0x38;
	[tilespmem:$0x1C2D0] =	vst v63  }
0x3a: {  	_ =	swait.ge [sflag:s16], $0x1F40  }
0x3b: {  	[sflag:s16] =	ssyncset.done $0x0  }
0x3c: {  	[sflag:s16] =	ssyncadd.s32 $0xFFFFE0C0  }
0x3d: {  	[spmem:s10] =	stream.linear.scatter [tilespmem:s15], [sflag:$0x9], $0x1C0, $0x38;
	[tilespmem:$0x1C2D0] =	vst v63  }
0x3e: {  	_ =	swait.ge [sflag:s16], $0x1C0  }
0x3f: {  	[sflag:s16] =	ssyncset.done $0x0  }
0x40: {  	s19 =	simm.s32 $0x0;
	[sflag:s16] =	ssyncadd.s32 $0xFFFFFE40  }
0x41: {  	[tilespmem:s19], [sflag:$0x9] =	stream.linear.gather [hbm4b:s14+s19], $0x5000, $0x38;
	[tilespmem:$0x1C2D0] =	vst v63  }
0x42: {  	_ =	swait.ge [sflag:s16], $0x5000  }
0x43: {  	[sflag:s16] =	ssyncset.done $0x0  }
0x44: {  	[sflag:s16] =	ssyncadd.s32 $0xFFFFB000  }
0x45: {  	[tilespmem:s17], [sflag:$0x9] =	stream.linear.gather [hbm4b:s11+s19], $0x5000, $0x38;
	[tilespmem:$0x1C2D0] =	vst v63  }
0x46: {  	_ =	swait.ge [sflag:s16], $0x5000  }
0x47: {  	[sflag:s16] =	ssyncset.done $0x0  }
0x48: {  	[sflag:s16] =	ssyncadd.s32 $0xFFFFB000  }
0x49: {  	[bflag:$0x0] =	sbarrier.arrive $0xFFFF  }
0x4a: {  	[tilespmem:s15], [sflag:$0x1] =	stream.indirect.gather [hbm4b:s1+s18], $0x40, s19, s18, $0xb8;
	[tilespmem:$0x1C2D0] =	vst v63  }
0x4b: {  	s30 =	simm.s32 $0x80  }
0x4c: {  	[tilespmem:s20], [sflag:$0x2] =	stream.indirect.gather [hbm4b:s1+s18], $0x40, s30, s18, $0xb8;
	[tilespmem:$0x1C2D0] =	vst v63  }
0x4d: {  	s7 =	simm.s32 $0x100  }
0x4e: {  	[tilespmem:s22], [sflag:$0x3] =	stream.indirect.gather [hbm4b:s1+s18], $0x40, s7, s18, $0xb8;
	[tilespmem:$0x1C2D0] =	vst v63  }
0x4f: {  	_ =	swait.ge [sflag:s23], $0x1F40  }
0x50: {  	[sflag:s23] =	ssyncset.done $0x0  }
0x51: {  	[sflag:s23] =	ssyncadd.s32 $0xFFFFE0C0  }
0x52: {  	[spmem:s3] =	stream.indirect.scatter.add.f32 [tilespmem:s15], [sflag:$0x5], $0x40, s17, s18, $0xb8;
	[tilespmem:$0x1C2D0] =	vst v63  }
0x53: {  	s8 =	simm.s32 $0x180  }
0x54: {  	[tilespmem:s25], [sflag:$0x4] =	stream.indirect.gather [hbm4b:s1+s18], $0x40, s8, s18, $0xb8;
	[tilespmem:$0x1C2D0] =	vst v63  }
0x55: {  	_ =	swait.ge [sflag:s26], $0x1F40  }
0x56: {  	[sflag:s26] =	ssyncset.done $0x0  }
0x57: {  	s24 =	simm.s32 $0x5080;
	[sflag:s26] =	ssyncadd.s32 $0xFFFFE0C0  }
0x58: {  	[spmem:s3] =	stream.indirect.scatter.add.f32 [tilespmem:s20], [sflag:$0x6], $0x40, s24, s18, $0xb8;
	[tilespmem:$0x1C2D0] =	vst v63  }
0x59: {  	_ =	swait.ge [sflag:s29], $0x1F40  }
0x5a: {  	[sflag:s29] =	ssyncset.done $0x0  }
0x5b: {  	s30 =	simm.s32 $0x200;
	[sflag:s29] =	ssyncadd.s32 $0xFFFFE0C0  }
0x5c: {  	[tilespmem:s15], [sflag:$0x1] =	stream.indirect.gather [hbm4b:s1+s18], $0x40, s30, s18, $0xb8;
	[tilespmem:$0x1C2D0] =	vst v63  }
0x5d: {  	_ =	swait.ge [sflag:s31], $0x1F40  }
0x5e: {  	[sflag:s31] =	ssyncset.done $0x0  }
0x5f: {  	s7 =	simm.s32 $0x5100;
	[sflag:s31] =	ssyncadd.s32 $0xFFFFE0C0  }
0x60: {  	[spmem:s3] =	stream.indirect.scatter.add.f32 [tilespmem:s22], [sflag:$0x7], $0x40, s7, s18, $0xb8;
	[tilespmem:$0x1C2D0] =	vst v63  }
0x61: {  	_ =	swait.ge [sflag:s0], $0x1F40  }
0x62: {  	[sflag:s0] =	ssyncset.done $0x0  }
0x63: {  	s8 =	simm.s32 $0x280;
	[sflag:s0] =	ssyncadd.s32 $0xFFFFE0C0  }
0x64: {  	[tilespmem:s20], [sflag:$0x2] =	stream.indirect.gather [hbm4b:s1+s18], $0x40, s8, s18, $0xb8;
	[tilespmem:$0x1C2D0] =	vst v63  }
0x65: {  	_ =	swait.ge [sflag:s21], $0x1F40  }
0x66: {  	[sflag:s21] =	ssyncset.done $0x0  }
0x67: {  	s24 =	simm.s32 $0x5180;
	[sflag:s21] =	ssyncadd.s32 $0xFFFFE0C0  }
0x68: {  	[spmem:s3] =	stream.indirect.scatter.add.f32 [tilespmem:s25], [sflag:$0x8], $0x40, s24, s18, $0xb8;
	[tilespmem:$0x1C2D0] =	vst v63  }
0x69: {  	_ =	swait.ge [sflag:s28], $0x1F40  }
0x6a: {  	[sflag:s28] =	ssyncset.done $0x0  }
0x6b: {  	s30 =	simm.s32 $0x300;
	[sflag:s28] =	ssyncadd.s32 $0xFFFFE0C0  }
0x6c: {  	[tilespmem:s22], [sflag:$0x3] =	stream.indirect.gather [hbm4b:s1+s18], $0x40, s30, s18, $0xb8;
	[tilespmem:$0x1C2D0] =	vst v63  }
.LBB2_6:
0x6d: {  	_ =	swait.ge [sflag:s23], $0x1F40  }
0x6e: {  	s24 =	sshra.s32 s19, $0x2;
	[sflag:s23] =	ssyncset.done $0x0  }
0x6f: {  	s30 =	sadd.s32 $0x5200, s24;
	[sflag:s23] =	ssyncadd.s32 $0xFFFFE0C0  }
0x70: {  	[spmem:s3] =	stream.indirect.scatter.add.f32 [tilespmem:s15], [sflag:$0x5], $0x40, s30, s18, $0xb8;
	[tilespmem:$0x1C2D0] =	vst v63  }
0x71: {  	_ =	swait.ge [sflag:s2], $0x1F40  }
0x72: {  	[sflag:s2] =	ssyncset.done $0x0  }
0x73: {  	s7 =	sadd.s32 $0x380, s24;
	[sflag:s2] =	ssyncadd.s32 $0xFFFFE0C0  }
0x74: {  	[tilespmem:s25], [sflag:$0x4] =	stream.indirect.gather [hbm4b:s1+s18], $0x40, s7, s18, $0xb8;
	[tilespmem:$0x1C2D0] =	vst v63  }
0x75: {  	_ =	swait.ge [sflag:s26], $0x1F40  }
0x76: {  	[sflag:s26] =	ssyncset.done $0x0  }
0x77: {  	s8 =	sadd.s32 $0x5280, s24;
	[sflag:s26] =	ssyncadd.s32 $0xFFFFE0C0  }
0x78: {  	[spmem:s3] =	stream.indirect.scatter.add.f32 [tilespmem:s20], [sflag:$0x6], $0x40, s8, s18, $0xb8;
	[tilespmem:$0x1C2D0] =	vst v63  }
0x79: {  	_ =	swait.ge [sflag:s29], $0x1F40  }
0x7a: {  	p0 =	seq.s32 s19, $0x13000;
	[sflag:s29] =	ssyncset.done $0x0  }
0x7b: {  	s30 =	simm.s32 @p0 $0x3;
	[sflag:s29] =	ssyncadd.s32 $0xFFFFE0C0  }
0x7c: {  	_ =	swait.ge @p0 [sflag:s30], $0x1F40  }
0x7d: {  	[sflag:s30] =	ssyncset.done @p0 $0x0  }
0x7e: {  	[sflag:s30] =	ssyncadd.s32 @p0 $0xFFFFE0C0;
	s30 =	sshra.s32 @p0 s19, $0x2  }
0x7f: {  	s6 =	simm.s32 @p0 $0x7D;
	s7 =	simm.s32 @p0 $0xDE80;
	s30 =	sadd.s32 @p0 $0x5300, s30  }
0x80: {  	[spmem:s3] =	stream.indirect.scatter.add.f32 @p0 [tilespmem:s7], [sflag:$0x7], $0x40, s30, s6, $0xb8;
	[tilespmem:$0x1C2D0] =	vst v63  }
0x81: {  	s6 =	simm.s32 @p0 $0x6  }
0x82: {  	_ =	swait.ge @p0 [sflag:s6], $0x1F40  }
0x83: {  	[sflag:s6] =	ssyncset.done @p0 $0x0  }
0x84: {  	[sflag:s6] =	ssyncadd.s32 @p0 $0xFFFFE0C0;
	s6 =	sshra.s32 @!p0 s19, $0x2  }
0x85: {  	s8 =	simm.s32 @!p0 $0xA000;
	s30 =	simm.s32 @!p0 $0x7D;
	s7 =	sadd.s32 @!p0 $0x400, s6  }
0x86: {  	[tilespmem:s8], [sflag:$0x1] =	stream.indirect.gather @!p0 [hbm4b:s1+s30], $0x40, s7, s30, $0xb8;
	[tilespmem:$0x1C2D0] =	vst v63  }
0x87: {  	s7 =	simm.s32 @!p0 $0x3  }
0x88: {  	_ =	swait.ge @!p0 [sflag:s7], $0x1F40  }
0x89: {  	[sflag:s7] =	ssyncset.done @!p0 $0x0  }
0x8a: {  	s8 =	simm.s32 @!p0 $0xDE80;
	[sflag:s7] =	ssyncadd.s32 @!p0 $0xFFFFE0C0;
	s7 =	sadd.s32 @!p0 $0x5300, s6  }
0x8b: {  	[spmem:s3] =	stream.indirect.scatter.add.f32 @!p0 [tilespmem:s8], [sflag:$0x7], $0x40, s7, s30, $0xb8;
	[tilespmem:$0x1C2D0] =	vst v63  }
0x8c: {  	s7 =	simm.s32 @!p0 $0x6  }
0x8d: {  	_ =	swait.ge @!p0 [sflag:s7], $0x1F40  }
0x8e: {  	[sflag:s7] =	ssyncset.done @!p0 $0x0  }
0x8f: {  	s6 =	sadd.s32 @!p0 $0x480, s6;
	[sflag:s7] =	ssyncadd.s32 @!p0 $0xFFFFE0C0;
	s7 =	simm.s32 @!p0 $0xBF40  }
0x90: {  	[tilespmem:s7], [sflag:$0x2] =	stream.indirect.gather @!p0 [hbm4b:s1+s30], $0x40, s6, s30, $0xb8;
	[tilespmem:$0x1C2D0] =	vst v63  }
0x91: {  	_ =	swait.ge [sflag:s21], $0x1F40  }
0x92: {  	[sflag:s21] =	ssyncset.done $0x0  }
.Ltmp4:
0x93: {  	s30 =	sadd.s32 $0x5380, s24;
	[sflag:s21] =	ssyncadd.s32 $0xFFFFE0C0;
	(pc) =	sbr.rel @p0 .LBB2_8-.Ltmp4, $4  }
0x94: {  	[spmem:s3] =	stream.indirect.scatter.add.f32 [tilespmem:s25], [sflag:$0x8], $0x40, s30, s18, $0xb8;
	[tilespmem:$0x1C2D0] =	vst v63  }
0x95: {  	_ =	swait.ge [sflag:s28], $0x1F40  }
0x96: {  	[sflag:s28] =	ssyncset.done $0x0  }
0x97: {  	[sflag:s28] =	ssyncadd.s32 $0xFFFFE0C0  }
.Ltmp5:
0x98: {  	(pc) =	sbr.rel .LBB2_6-.Ltmp5, $3  }
0x99: {  	_ =	sdelay $0x1  }
0x9a: {  	s6 =	sadd.s32 $0x500, s24;
	s19 =	sadd.s32 $0x800, s19  }
0x9b: {  	[tilespmem:s22], [sflag:$0x3] =	stream.indirect.gather [hbm4b:s1+s18], $0x40, s6, s18, $0xb8;
	[tilespmem:$0x1C2D0] =	vst v63  }
.LBB2_9:
0x9c: {  	_ =	sfence.sel $0x180000  }
0x9d: {  	[bflag:$0x0] =	sbarrier.arrive $0xFFFF  }
0x9e: {  	_ =	strace $0x9000004A  }
0x9f: {  	s0 =	stileid.u32;
	[bflag:$0x2] =	sbarrier.arrive $0xFFFF  }
0xa0: {  	p0 =	sne.s32 s0, $0x0;
	s0 =	rddreg [dreg:$0x3]  }
0xa1: {  	s0 =	sadd.s32 @!p0 $0x100000, s0  }
0xa2: {  	[sflag:s0] =	ssyncadd.tile.s32 @!p0 $0x1;
	_ =	shalt  }
.Lfunc_end2:
_tile_overlayer_lowered:
.L_overlay_start_2:
0xa3: {  	(tag) =	ssettag $0x2  }
0xa4: {  	s0 =	rddreg [dreg:$0x0];
	s2 =	stileid.u32  }
0xa5: {  	s1 =	rddreg [dreg:$0x1];
	p0 =	sne.s32 s2, $0x0  }
0xa6: {  	s3 =	rddreg [dreg:$0x2];
	[bflag:$0x3] =	sbarrier.arrive $0xFFFF;
	s2 =	simm.s32 @!p0 $0x1C09  }
0xa7: {  	[timem:s3], [sflag:s2] =	dma.local @!p0 [hbm:s0], s1  }
0xa8: {  	s0 =	simm.s32 @!p0 $0x9  }
0xa9: {  	_ =	swait.ge @!p0 [sflag:s0], s1  }
0xaa: {  	s1 =	ssub.s32 @!p0 $0x0, s1;
	[sflag:s0] =	ssyncset.done @!p0 $0x0  }
0xab: {  	[sflag:s0] =	ssyncadd.s32 @!p0 s1  }
0xac: {  	[bflag:$0x3] =	sbarrier.arrive $0xFFFF  }
0xad: {  	_ =	shalt  }

// kernel: kernel.8.cloned.1.call-start
scs
__scs_entry_jumppad:
0x0: {  	(pc) =	sbr.rel $0x88, $3  }
0x1: {  	(tag) =	ssettag $0x0;
	lr =	simm.s32 $0x1  }
0x2: {  	[smem:$0x3F97] =	sst lr;
	_ =	strace $0xD0000000  }
0x3: {  	_ = 	snop  }
0x4: {  	_ = 	snop  }
0x5: {  	_ = 	snop  }
0x6: {  	_ = 	snop  }
0x7: {  	_ = 	snop  }
__scs_overlays_trampoline_lowered:
0x8: {  	[smem:$0x3FA6] =	sst s0  }
0x9: {  	[smem:$0x3FA7] =	sst s1  }
0xa: {  	[smem:$0x3FA8] =	sst s2  }
0xb: {  	[smem:$0x3FA9] =	sst s3  }
0xc: {  	[smem:$0x3FAA] =	sst s4  }
0xd: {  	[smem:$0x3FAB] =	sst s5  }
0xe: {  	[smem:$0x3FAC] =	sst s6  }
0xf: {  	[smem:$0x3FAD] =	sst s7  }
0x10: {  	[smem:$0x3FAE] =	sst s8  }
0x11: {  	[smem:$0x3FAF] =	sst s9;
	s0 =	simm.s32 @!p0 $0x0  }
0x12: {  	s1 =	sld [smem:$0x3F95];
	s0 =	simm.s32 @p0 $0x1  }
0x13: {  	[smem:$0x3FB0] =	sst s0;
	s0 =	simm.s32 @!p1 $0x0  }
0x14: {  	s2 =	sld [smem:$0x3F94];
	s0 =	simm.s32 @p1 $0x1  }
0x15: {  	[smem:$0x3FB1] =	sst s0;
	s0 =	simm.s32 @!p2 $0x0  }
0x16: {  	s3 =	sld [smem:$0x3FDB];
	s0 =	simm.s32 @p2 $0x1  }
0x17: {  	s4 =	simm.s32 $0x1BF5;
	[smem:$0x3FB3] =	sst s0  }
0x18: {  	s0 =	sld [smem:$0x3F96];
	_ =	swait.ge [sflag:s4], $0x0  }
0x19: {  	s7 =	sld [smem:$0x3F97]  }
0x1a: {  	s8 =	sadd.s32 $0xFFFFE003, lr  }
0x1b: {  	s9 =	sadd.s32 $0xFFFFFEF7, lr;
	s5 =	simm.s32 $0xFFFFFFFF;
	p2 =	slt.u32 s8, $0xFFFFF086  }
0x1c: {  	p1 =	slt.u32 s9, $0xF7A;
	s5 =	simm.s32 @!p2 $0x0  }
0x1d: {  	s5 =	simm.s32 @p1 $0x1;
	p0 =	seq.s32 s7, s2  }
0x1e: {  	s7 =	smul.u32 @!p0 $0xF7A, s2;
	p2 =	seq.s32 @!p0 s5, $0x0  }
0x1f: {  	s9 =	smul.u32 $0xF7A, s1;
	s8 =	simm.s32 @!p0 $0x1BF5;
	p2 =	por !p2, p0  }
0x20: {  	[sflag:s8] =	ssyncset.s32 @!p0 $0xFFFFF086;
	s6 =	sadd.s32 @!p0 s3, s7;
	s7 =	simm.s32 @!p0 $0x108  }
0x21: {  	s3 =	sadd.s32 s3, s9;
	s6 =	sadd.s32 @!p0 $0x88, s6;
	s7 =	simm.s32 @p2 $0x1082  }
0x22: {  	[simem:s7], [sflag:s8] =	dma.local @!p0 [hbm:s6], $0xF7A  }
0x23: {  	s9 =	sor.u32 $0xD0000000, s2;
	s6 =	simm.s32 $0x108;
	_ =	swait.ge @!p0 [sflag:s8], $0x0  }
0x24: {  	s3 =	sadd.s32 $0x88, s3;
	s6 =	simm.s32 @!p1 $0x1082;
	[sflag:s4] =	ssyncset.s32 $0xFFFFF086  }
0x25: {  	[simem:s6], [sflag:s4] =	dma.local [hbm:s3], $0xF7A  }
0x26: {  	[smem:$0x3F97] =	sst s1;
	(tag) =	ssettag s2;
	_ =	strace s9  }
0x27: {  	s1 =	sld [smem:$0x3FA7]  }
0x28: {  	s2 =	sld [smem:$0x3FA8]  }
0x29: {  	s4 =	sld [smem:$0x3FAA]  }
0x2a: {  	p0 =	seq.s32 s5, $0x0;
	s5 =	sld [smem:$0x3FAB]  }
0x2b: {  	s6 =	sld [smem:$0x3FAC]  }
0x2c: {  	s7 =	sld [smem:$0x3FAD]  }
0x2d: {  	s3 =	simm.s32 $0x108;
	s8 =	sld [smem:$0x3FAE]  }
0x2e: {  	s3 =	simm.s32 @!p0 $0x1082;
	s9 =	sld [smem:$0x3FAF]  }
0x2f: {  	lr =	sadd.s32 s0, s3;
	s0 =	sld [smem:$0x3FA6]  }
0x30: {  	s3 =	sld [smem:$0x3FA9]  }
0x31: {  	[smem:$0x3FB2] =	sst s10  }
0x32: {  	s10 =	sld [smem:$0x3FB0];
	_ =	sdelay $0x3  }
0x33: {  	p0 =	seq.s32 s10, $0x1;
	s10 =	sld [smem:$0x3FB2];
	_ =	sdelay $0x3  }
0x34: {  	[smem:$0x3FB2] =	sst s10  }
0x35: {  	s10 =	sld [smem:$0x3FB1];
	_ =	sdelay $0x3  }
0x36: {  	p1 =	seq.s32 s10, $0x1;
	s10 =	sld [smem:$0x3FB2];
	_ =	sdelay $0x3  }
0x37: {  	[smem:$0x3FB2] =	sst s10  }
0x38: {  	s10 =	sld [smem:$0x3FB3]  }
0x39: {  	_ = 	snop;
	(pc) =	sbr.ind lr, $3  }
0x3a: {  	_ = 	snop  }
0x3b: {  	_ = 	snop  }
0x3c: {  	p2 =	seq.s32 s10, $0x1;
	s10 =	sld [smem:$0x3FB2]  }
0x3d: {  	_ =	shalt  }
0x3e: {  	_ =	shalt  }
0x3f: {  	_ =	shalt  }
0x40: {  	_ =	shalt  }
0x41: {  	_ =	shalt  }
0x42: {  	_ =	shalt  }
0x43: {  	_ =	shalt  }
0x44: {  	_ =	shalt  }
0x45: {  	_ =	shalt  }
0x46: {  	_ =	shalt  }
0x47: {  	_ =	shalt  }
0x48: {  	_ =	shalt  }
0x49: {  	_ =	shalt  }
0x4a: {  	_ =	shalt  }
0x4b: {  	_ =	shalt  }
0x4c: {  	_ =	shalt  }
0x4d: {  	_ =	shalt  }
0x4e: {  	_ =	shalt  }
0x4f: {  	_ =	shalt  }
0x50: {  	_ =	shalt  }
0x51: {  	_ =	shalt  }
0x52: {  	_ =	shalt  }
0x53: {  	_ =	shalt  }
0x54: {  	_ =	shalt  }
0x55: {  	_ =	shalt  }
0x56: {  	_ =	shalt  }
0x57: {  	_ =	shalt  }
0x58: {  	_ =	shalt  }
0x59: {  	_ =	shalt  }
0x5a: {  	_ =	shalt  }
0x5b: {  	_ =	shalt  }
0x5c: {  	_ =	shalt  }
0x5d: {  	_ =	shalt  }
0x5e: {  	_ =	shalt  }
0x5f: {  	_ =	shalt  }
0x60: {  	_ =	shalt  }
0x61: {  	_ =	shalt  }
0x62: {  	_ =	shalt  }
0x63: {  	_ =	shalt  }
0x64: {  	_ =	shalt  }
0x65: {  	_ =	shalt  }
0x66: {  	_ =	shalt  }
0x67: {  	_ =	shalt  }
0x68: {  	_ =	shalt  }
0x69: {  	_ =	shalt  }
0x6a: {  	_ =	shalt  }
0x6b: {  	_ =	shalt  }
0x6c: {  	_ =	shalt  }
0x6d: {  	_ =	shalt  }
0x6e: {  	_ =	shalt  }
0x6f: {  	_ =	shalt  }
0x70: {  	_ =	shalt  }
0x71: {  	_ =	shalt  }
0x72: {  	_ =	shalt  }
0x73: {  	_ =	shalt  }
0x74: {  	_ =	shalt  }
0x75: {  	_ =	shalt  }
0x76: {  	_ =	shalt  }
0x77: {  	_ =	shalt  }
0x78: {  	_ =	shalt  }
0x79: {  	_ =	shalt  }
0x7a: {  	_ =	shalt  }
0x7b: {  	_ =	shalt  }
0x7c: {  	_ =	shalt  }
0x7d: {  	_ =	shalt  }
0x7e: {  	_ =	shalt  }
0x7f: {  	_ =	shalt  }
0x80: {  	_ =	shalt  }
0x81: {  	_ =	shalt  }
0x82: {  	_ =	shalt  }
0x83: {  	_ =	shalt  }
0x84: {  	_ =	shalt  }
0x85: {  	_ =	shalt  }
0x86: {  	_ =	shalt  }
0x87: {  	_ =	shalt  }
.Lfunc_end0:
.L_simem_size_0:
called_computation_lowered:
.L_overlay_start_0:
0x88: {  	s2 =	sld [smem:$0x3FD9]  }
0x89: {  	s3 =	sld [smem:$0x3FFE];
	_ =	sdelay $0x1  }
0x8a: {  	s1 =	srdreg.scid  }
0x8b: {  	s0 =	sand.u32 $0x1, s1  }
0x8c: {  	s17 =	sshll.u32 s0, $0xA;
	s2 =	sadd.s32 s3, s2  }
0x8d: {  	s2 =	sadd.s32 s2, s17  }
0x8e: {  	[smem:$0x3FBE] =	sst s2  }
0x8f: {  	_ = 	snop  }
0x90: {  	s2 =	sld [smem:$0x3FD0];
	(tm) =	ssettm $0x1  }
0x91: {  	s18 =	sld [smem:$0x3FFB];
	_ =	sdelay $0x3  }
0x92: {  	_ =	strace s18  }
0x93: {  	s3 =	sld [smem:$0x3FFC];
	_ =	sdelay $0x3  }
0x94: {  	_ =	strace s3  }
0x95: {  	s3 =	sld [smem:$0x3FFD];
	_ =	sdelay $0x3  }
0x96: {  	_ =	strace s3  }
0x97: {  	_ =	strace $0x8FFFFFFF  }
0x98: {  	s19 =	sld [smem:$0x3FDB];
	_ =	sdelay $0x1  }
0x99: {  	s4 =	simm.s32 $_scs_section_size  }
0x9a: {  	s5 =	simm.s32 $_size__tile_overlayer_lowered;
	s6 =	simm.s32 $_tile_overlayer_lowered  }
0x9b: {  	s22 =	simm.s32 $0x1BFF;
	s21 =	sshll.u32 s6, $0x1;
	s3 =	sadd.s32 s4, s19  }
0x9c: {  	s7 =	simm.s32 $0x0;
	s20 =	sshll.u32 s5, $0x1;
	s5 =	sadd.s32 s21, s3  }
0x9d: {  	[timem:s7], [sflag:s22] =	dma.local [hbm:s5], s20  }
0x9e: {  	_ =	swait.ge [sflag:s22], s20  }
0x9f: {  	s4 =	ssub.s32 $0x0, s20;
	[sflag:s22] =	ssyncset.done $0x0  }
0xa0: {  	[sflag:s22] =	ssyncadd.s32 s4;
	_ =	sdelay $0x1  }
0xa1: {  	s23 =	simm.s32 $0x1B8B  }
0xa2: {  	_ =	swait.ge [sflag:s23], $0x1  }
0xa3: {  	[sflag:s23] =	ssyncset.done $0x0  }
0xa4: {  	s25 =	simm.s32 $0x1B8E;
	s24 =	sld [smem:$0x3FFE];
	[sflag:s23] =	ssyncadd.s32 $0xFFFFFFFF  }
0xa5: {  	s26 =	simm.s32 $execute0_lowered;
	[smem:$0x3FD2] =	sst s25  }
0xa6: {  	s5 =	sshll.u32 s26, $0x1;
	_ =	strace $0x80000046;
	[dreg:$0x1] =	wrdreg $0xFFFFFFFF  }
0xa7: {  	s28 =	simm.s32 $_size_execute0_lowered;
	s3 =	sadd.s32 s3, s5;
	[dreg:$0x0] =	wrdreg $0x0  }
0xa8: {  	s5 =	sshll.u32 s28, $0x1;
	[dreg:$0x2] =	wrdreg s3  }
0xa9: {  	[dreg:$0x3] =	wrdreg s5  }
0xaa: {  	[dreg:$0x4] =	wrdreg $0xC0  }
0xab: {  	_ =	task [dreg:s7], $0x5FFFF  }
0xac: {  	[dreg:$0x1] =	wrdreg $0xFFFFFFFF  }
0xad: {  	[dreg:$0x0] =	wrdreg $0x60  }
0xae: {  	[dreg:$0x2] =	wrdreg s2  }
0xaf: {  	[dreg:$0x3] =	wrdreg s24  }
0xb0: {  	[dreg:$0x4] =	wrdreg $0x12CA00  }
0xb1: {  	[dreg:$0x5] =	wrdreg $0x1CAA00  }
0xb2: {  	[dreg:$0x6] =	wrdreg $0x9  }
0xb3: {  	_ =	task.clear_ibuf [dreg:s7], $0x7FFFF;
	_ =	strace $0x90000046  }
0xb4: {  	s29 =	simm.s32 $0x9;
	_ =	strace $0x80000048  }
0xb5: {  	_ =	swait.ge [sflag:s29], $0x1  }
0xb6: {  	[sflag:s29] =	ssyncadd.s32 $0xFFFFFFFF  }
0xb7: {  	_ =	strace $0x90000048  }
0xb8: {  	_ =	sfence  }
0xb9: {  	s30 =	sld [smem:$0x0];
	_ =	sdelay $0x2  }
0xba: {  	s31 =	sshll.u32 s1, $0xD;
	s1 =	sshrl.u32 s1, $0x2  }
0xbb: {  	s3 =	sand.u32 $0x4000, s31;
	s1 =	sadd.s32 s1, s30  }
0xbc: {  	s0 =	sor.u32 s3, s0;
	s1 =	sshll.u32 s1, $0x11  }
0xbd: {  	s0 =	sor.u32 s1, s0  }
0xbe: {  	s0 =	sadd.s32 $0x8F2B, s0  }
0xbf: {  	[sflag:s0] =	ssyncadd.remote.s32 $0x1  }
0xc0: {  	_ =	sfence.sel $0xFFFF  }
0xc1: {  	[dreg:$0x0] =	wrdreg $0xFFFFFFFF;
	(pc) =	sbr.abs _section_cstart, $3  }
0xc2: {  	[dreg:$0x1] =	wrdreg $0xFFFFFFFF  }
0xc3: {  	_ =	task.clear_ibuf [dreg:s7], $0x2FFFF;
	_ =	strace $0x9FFFFFFF  }
0xc4: {  	(tm) =	ssettm $0x7FFFFFFF  }
0xc5: {  	_ =	shalt  }
tec
execute0_lowered:
.L_overlay_start_1:
0x0: {  	(tag) =	ssettag $0x1  }
0x1: {  	s1 =	rddreg [dreg:$0x0]  }
0x2: {  	s0 =	rddreg [dreg:$0x1]  }
0x3: {  	s3 =	rddreg [dreg:$0x2]  }
0x4: {  	s4 =	rddreg [dreg:$0x3];
	s16 =	stileid.u32  }
0x5: {  	s2 =	srdreg.scid;
	s5 =	simm.s32 $0x0;
	s7 =	smul.u32 $0x9E00, s16  }
0x6: {  	s28 =	simm.s32 $0x7D;
	s30 =	simm.s32 $0xBF40;
	s9 =	smul.u32 $0xA00, s16  }
0x7: {  	s29 =	simm.s32 $0xFDC0;
	s31 =	simm.s32 $0x11D00;
	s11 =	smul.u32 $0x2780, s16  }
0x8: {  	s2 =	sand.u32 $0x1, s2;
	[smem:$0x7FF] =	sst s5;
	s16 =	smul.u32 $0x278, s16  }
0x9: {  	s8 =	sadd.s32 $0x2600, s0;
	s10 =	sadd.s32 $0x16600, s0;
	s6 =	smul.u32 $0x9E000, s2  }
0xa: {  	_ =	strace $0x80000047;
	s13 =	ssub.s32 $0x2, s2;
	p0 =	sne.s32 s2, $0x0  }
0xb: {  	p1 =	seq.s32 s2, $0x0;
	s2 =	simm.s32 $0x2;
	s12 =	sadd.s32 s9, s0  }
0xc: {  	s14 =	sshrl.u32 s11, $0x3;
	s15 =	sshrl.u32 s13, $0x1;
	s25 =	sadd.s32 $0x7D, s16  }
0xd: {  	s20 =	sadd.s32 $0x177, s16;
	s22 =	sadd.s32 $0x1F4, s16;
	s8 =	smov.u32 @p0 s10  }
0xe: {  	s6 =	sadd.s32 s7, s6;
	s13 =	ssub.s32 s13, s15;
	s15 =	sadd.s32 $0xFA, s16  }
0xf: {  	s18 =	sshll.u32 s25, $0x6;
	s16 =	sadd.s32 $0x271, s16;
	s21 =	sshll.u32 s22, $0x6  }
0x10: {  	s25 =	sshll.u32 s25, $0x4;
	s6 =	sshrl.u32 s6, $0x3;
	s19 =	sshll.u32 s15, $0x6  }
0x11: {  	s18 =	sadd.s32 s18, s3;
	s23 =	sshll.u32 s16, $0x6;
	s24 =	sadd.s32 s21, s3  }
0x12: {  	s17 =	sadd.s32 s6, s0;
	s0 =	sadd.s32 s14, s0;
	s6 =	sadd.s32 s7, s3  }
0x13: {  	[dreg:$0x5] =	wrdreg s18;
	s26 =	sadd.s32 s19, s3;
	s19 =	sshll.u32 s20, $0x6  }
0x14: {  	[dreg:$0x8] =	wrdreg s24;
	s10 =	sadd.s32 s23, s3;
	s7 =	sshrl.u32 s7, $0x2  }
0x15: {  	s23 =	sadd.s32 $0xC600, s12;
	s12 =	simm.s32 $0x8;
	[dreg:$0x6] =	wrdreg s26  }
0x16: {  	s18 =	sadd.s32 s19, s3;
	[dreg:$0x9] =	wrdreg s10;
	s26 =	sshll.u32 s15, $0x4  }
0x17: {  	s7 =	sadd.s32 s7, s4;
	s10 =	sadd.s32 s25, s4;
	[dreg:$0x10] =	wrdreg s23  }
0x18: {  	s19 =	sshll.u32 s22, $0x4;
	s24 =	sadd.s32 $0x25600, s17;
	[dreg:$0x7] =	wrdreg s18  }
0x19: {  	s0 =	sadd.s32 $0x20600, s0;
	s25 =	smax.u32 s13, $0x1;
	[dreg:$0xa] =	wrdreg s7  }
0x1a: {  	s23 =	simm.s32 $0xA000;
	s13 =	simm.s32 $0x9;
	[dreg:$0xb] =	wrdreg s10  }
0x1b: {  	s15 =	sadd.s32 s26, s4;
	s18 =	sshll.u32 s20, $0x4;
	[dreg:$0x11] =	wrdreg s24  }
0x1c: {  	s20 =	sshll.u32 s16, $0x4;
	s21 =	sadd.s32 s19, s4;
	[dreg:$0x12] =	wrdreg s0  }
0x1d: {  	s0 =	sadd.s32 s11, s4;
	[dreg:$0x13] =	wrdreg s25;
	s26 =	sadd.s32 s8, s9  }
0x1e: {  	s24 =	simm.s32 $0xB;
	s8 =	simm.s32 $0x3;
	[dreg:$0xc] =	wrdreg s15  }
.Ltmp0:
0x1f: {  	s9 =	simm.s32 $0x6;
	[dreg:$0xe] =	wrdreg s21;
	(pc) =	sbr.rel .LBB2_1-.Ltmp0, $4  }
0x20: {  	s10 =	simm.s32 $0x4;
	s7 =	sadd.s32 s18, s4;
	[dreg:$0x14] =	wrdreg s26  }
0x21: {  	s11 =	simm.s32 $0x7;
	s22 =	sadd.s32 s20, s4;
	[dreg:$0xd] =	wrdreg s7  }
0x22: {  	s0 =	sshrl.u32 @!p0 s0, $0x3;
	s26 =	simm.s32 $0x1;
	[dreg:$0xf] =	wrdreg s22  }
0x23: {  	v0 =	vimm.f32 $0.0e+00;
	v1 =	vimm.f32 $1.000000000e+00;
	[dreg:$0x15] =	wrdreg s0;
	s0 =	simm.s32 $0xDE80;
	s7 =	simm.s32 $0x5  }
.LBB2_12:
0x24: {  	_ =	swait.ge [sflag:s12], $0x1F40  }
0x25: {  	[sflag:s12] =	ssyncset.done $0x0  }
0x26: {  	s18 =	stileid.u32;
	[sflag:s12] =	ssyncadd.s32 $0xFFFFE0C0  }
0x27: {  	s14 =	sshll.u32 @p0 s18, $0x6;
	[bflag:$0x0] =	sbarrier.arrive @p0 $0xFFFF  }
0x28: {  	s15 =	sshrl.u32 @p0 s6, $0x3;
	s14 =	sor.u32 @p0 $0x1C0B, s14;
	s19 =	rddreg [dreg:$0x11]  }
0x29: {  	[hbm:s19], [sflag:s14] =	dma.local @p0 [spmem:s15], $0x13C0  }
0x2a: {  	s14 =	simm.s32 @p0 $0xB  }
0x2b: {  	_ =	swait.ge @p0 [sflag:s14], $0x13C0  }
0x2c: {  	[sflag:s14] =	ssyncset.done @p0 $0x0  }
0x2d: {  	[sflag:s14] =	ssyncadd.s32 @p0 $0xFFFFEC40  }
0x2e: {  	_ =	swait.ge @!p0 [sflag:s16], $0x7D0  }
0x2f: {  	[sflag:s16] =	ssyncset.done @!p0 $0x0  }
0x30: {  	[sflag:s16] =	ssyncadd.s32 @!p0 $0xFFFFF830  }
0x31: {  	_ =	swait.ge @!p0 [sflag:s17], $0x7D0  }
0x32: {  	[sflag:s17] =	ssyncset.done @!p0 $0x0  }
0x33: {  	s14 =	sshll.u32 @!p0 s18, $0x6;
	[sflag:s17] =	ssyncadd.s32 @!p0 $0xFFFFF830  }
0x34: {  	s15 =	sshrl.u32 @!p0 s6, $0x3;
	s14 =	sor.u32 @!p0 $0x1C0B, s14;
	[bflag:$0x0] =	sbarrier.arrive @!p0 $0xFFFF  }
0x35: {  	[hbm:s19], [sflag:s14] =	dma.local @!p0 [spmem:s15], $0x13C0  }
0x36: {  	s15 =	simm.s32 @!p0 $0xB  }
0x37: {  	_ =	swait.ge @!p0 [sflag:s15], $0x13C0  }
0x38: {  	[sflag:s15] =	ssyncset.done @!p0 $0x0;
	s17 =	rddreg [dreg:$0x12]  }
0x39: {  	s18 =	rddreg [dreg:$0x15];
	[sflag:s15] =	ssyncadd.s32 @!p0 $0xFFFFEC40  }
0x3a: {  	[hbm:s17], [sflag:s14] =	dma.local @!p0 [spmem:s18], $0x4F0  }
0x3b: {  	_ =	swait.ge @!p0 [sflag:s15], $0x4F0  }
0x3c: {  	s5 =	sadd.s32 $0x1, s5;
	s25 =	rddreg [dreg:$0x13]  }
0x3d: {  	p2 =	sne.s32 s5, s25  }
.Ltmp1:
0x3e: {  	_ = 	snop;
	(pc) =	sbr.rel @!p2 .LBB2_13-.Ltmp1, $3  }
0x3f: {  	_ =	sdelay $0x1  }
0x40: {  	[sflag:s15] =	ssyncset.done @!p0 $0x0  }
0x41: {  	s16 =	stileid.u32;
	[sflag:s15] =	ssyncadd.s32 @!p0 $0xFFFFFB10  }
.LBB2_1:
0x42: {  	s14 =	simm.s32 $0x0  }
.LBB2_2:
0x43: {  	p2 =	sne.s32 s14, $0x7C00  }
.Ltmp2:
0x44: {  	s15 =	sshra.s32 s14, $0x2;
	(pc) =	sbr.rel @p2 .LBB2_2-.Ltmp2, $4  }
0x45: {  	[tilespmem:s15+$0xA000] =	vst v0  }
0x46: {  	[tilespmem:s15+$0xA010] =	vst v0  }
0x47: {  	[tilespmem:s15+$0xA020] =	vst v0  }
0x48: {  	s14 =	sadd.s32 $0x100, s14;
	[tilespmem:s15+$0xA030] =	vst v0  }
0x49: {  	s14 =	simm.s32 $0x40;
	s15 =	simm.s32 $0x0  }
.LBB2_4:
0x4a: {  	p2 =	sne.s32 s14, $0x1F00;
	[tilespmem:s15+$0x124D0] =	vst v0;
	s16 =	smov.u32 s14;
	s14 =	sadd.s32 $0x40, s14  }
.Ltmp3:
0x4b: {  	[tilespmem:s15+$0x11D00] =	vst v1;
	(pc) =	sbr.rel @p2 .LBB2_4-.Ltmp3, $2  }
0x4c: {  	_ =	sdelay $0x2  }
0x4d: {  	s15 =	sshra.s32 s16, $0x2  }
0x4e: {  	[tilespmem:s15+$0x124D0] =	vst v0  }
0x4f: {  	[tilespmem:s15+$0x11D00] =	vst v1  }
0x50: {  	[spmem:s6] =	stream.linear.scatter [tilespmem:s23], [sflag:$0xB], $0x1F40, $0x38;
	[tilespmem:$0x1F220] =	vst v63  }
0x51: {  	_ =	swait.ge [sflag:s24], $0x1F40  }
0x52: {  	[sflag:s24] =	ssyncset.done $0x0  }
0x53: {  	s14 =	rddreg [dreg:$0x5];
	[sflag:s24] =	ssyncadd.s32 $0xFFFFE0C0  }
0x54: {  	[spmem:s14] =	stream.linear.scatter [tilespmem:s23], [sflag:$0xB], $0x1F40, $0x38;
	[tilespmem:$0x1F220] =	vst v63  }
0x55: {  	_ =	swait.ge [sflag:s24], $0x1F40  }
0x56: {  	[sflag:s24] =	ssyncset.done $0x0  }
0x57: {  	s15 =	rddreg [dreg:$0x6];
	[sflag:s24] =	ssyncadd.s32 $0xFFFFE0C0  }
0x58: {  	[spmem:s15] =	stream.linear.scatter [tilespmem:s23], [sflag:$0xB], $0x1F40, $0x38;
	[tilespmem:$0x1F220] =	vst v63  }
0x59: {  	_ =	swait.ge [sflag:s24], $0x1F40  }
0x5a: {  	[sflag:s24] =	ssyncset.done $0x0  }
0x5b: {  	s16 =	rddreg [dreg:$0x7];
	[sflag:s24] =	ssyncadd.s32 $0xFFFFE0C0  }
0x5c: {  	[spmem:s16] =	stream.linear.scatter [tilespmem:s23], [sflag:$0xB], $0x1F40, $0x38;
	[tilespmem:$0x1F220] =	vst v63  }
0x5d: {  	_ =	swait.ge [sflag:s24], $0x1F40  }
0x5e: {  	[sflag:s24] =	ssyncset.done $0x0  }
0x5f: {  	s17 =	rddreg [dreg:$0x8];
	[sflag:s24] =	ssyncadd.s32 $0xFFFFE0C0  }
0x60: {  	[spmem:s17] =	stream.linear.scatter [tilespmem:s23], [sflag:$0xB], $0x1F40, $0x38;
	[tilespmem:$0x1F220] =	vst v63  }
0x61: {  	_ =	swait.ge [sflag:s24], $0x1F40  }
0x62: {  	[sflag:s24] =	ssyncset.done $0x0  }
0x63: {  	s18 =	rddreg [dreg:$0x9];
	[sflag:s24] =	ssyncadd.s32 $0xFFFFE0C0  }
0x64: {  	[spmem:s18] =	stream.linear.scatter [tilespmem:s23], [sflag:$0xB], $0x1C0, $0x38;
	[tilespmem:$0x1F220] =	vst v63  }
0x65: {  	_ =	swait.ge [sflag:s24], $0x1C0  }
0x66: {  	[sflag:s24] =	ssyncset.done $0x0  }
0x67: {  	s14 =	simm.s32 @!p0 $0x124D0;
	s15 =	rddreg [dreg:$0xa];
	[sflag:s24] =	ssyncadd.s32 $0xFFFFFE40  }
0x68: {  	[spmem:s15] =	stream.linear.scatter @!p0 [tilespmem:s14], [sflag:$0xB], $0x7D0, $0x38;
	[tilespmem:$0x1F220] =	vst v63  }
0x69: {  	s15 =	simm.s32 @!p0 $0xB  }
0x6a: {  	_ =	swait.ge @!p0 [sflag:s15], $0x7D0  }
0x6b: {  	[sflag:s15] =	ssyncset.done @!p0 $0x0  }
0x6c: {  	s16 =	rddreg [dreg:$0xb];
	[sflag:s15] =	ssyncadd.s32 @!p0 $0xFFFFF830  }
0x6d: {  	[spmem:s16] =	stream.linear.scatter @!p0 [tilespmem:s14], [sflag:$0xB], $0x7D0, $0x38;
	[tilespmem:$0x1F220] =	vst v63  }
0x6e: {  	_ =	swait.ge @!p0 [sflag:s15], $0x7D0  }
0x6f: {  	[sflag:s15] =	ssyncset.done @!p0 $0x0  }
0x70: {  	s16 =	rddreg [dreg:$0xc];
	[sflag:s15] =	ssyncadd.s32 @!p0 $0xFFFFF830  }
0x71: {  	[spmem:s16] =	stream.linear.scatter @!p0 [tilespmem:s14], [sflag:$0xB], $0x7D0, $0x38;
	[tilespmem:$0x1F220] =	vst v63  }
0x72: {  	_ =	swait.ge @!p0 [sflag:s15], $0x7D0  }
0x73: {  	[sflag:s15] =	ssyncset.done @!p0 $0x0  }
0x74: {  	s16 =	rddreg [dreg:$0xd];
	[sflag:s15] =	ssyncadd.s32 @!p0 $0xFFFFF830  }
0x75: {  	[spmem:s16] =	stream.linear.scatter @!p0 [tilespmem:s14], [sflag:$0xB], $0x7D0, $0x38;
	[tilespmem:$0x1F220] =	vst v63  }
0x76: {  	_ =	swait.ge @!p0 [sflag:s15], $0x7D0  }
0x77: {  	[sflag:s15] =	ssyncset.done @!p0 $0x0  }
0x78: {  	s16 =	rddreg [dreg:$0xe];
	[sflag:s15] =	ssyncadd.s32 @!p0 $0xFFFFF830  }
0x79: {  	[spmem:s16] =	stream.linear.scatter @!p0 [tilespmem:s14], [sflag:$0xB], $0x7D0, $0x38;
	[tilespmem:$0x1F220] =	vst v63  }
0x7a: {  	_ =	swait.ge @!p0 [sflag:s15], $0x7D0  }
0x7b: {  	[sflag:s15] =	ssyncset.done @!p0 $0x0  }
0x7c: {  	s16 =	rddreg [dreg:$0xf];
	[sflag:s15] =	ssyncadd.s32 @!p0 $0xFFFFF830  }
0x7d: {  	[spmem:s16] =	stream.linear.scatter @!p0 [tilespmem:s14], [sflag:$0xB], $0x70, $0x38;
	[tilespmem:$0x1F220] =	vst v63  }
0x7e: {  	_ =	swait.ge @!p0 [sflag:s15], $0x70  }
0x7f: {  	[sflag:s15] =	ssyncset.done @!p0 $0x0  }
0x80: {  	s14 =	simm.s32 $0x0;
	s19 =	rddreg [dreg:$0x14];
	[sflag:s15] =	ssyncadd.s32 @!p0 $0xFFFFFF90  }
0x81: {  	[tilespmem:s14], [sflag:$0xB] =	stream.linear.gather [hbm4b:s19+s14], $0x5000, $0x38;
	[tilespmem:$0x1F220] =	vst v63  }
0x82: {  	_ =	swait.ge [sflag:s24], $0x5000  }
0x83: {  	[sflag:s24] =	ssyncset.done $0x0  }
0x84: {  	s21 =	simm.s32 $0x5000;
	s20 =	rddreg [dreg:$0x10];
	[sflag:s24] =	ssyncadd.s32 $0xFFFFB000  }
0x85: {  	[tilespmem:s21], [sflag:$0xB] =	stream.linear.gather [hbm4b:s20+s14], $0x5000, $0x38;
	[tilespmem:$0x1F220] =	vst v63  }
0x86: {  	_ =	swait.ge [sflag:s24], $0x5000  }
0x87: {  	[sflag:s24] =	ssyncset.done $0x0  }
0x88: {  	[sflag:s24] =	ssyncadd.s32 $0xFFFFB000  }
0x89: {  	[bflag:$0x0] =	sbarrier.arrive $0xFFFF  }
0x8a: {  	[tilespmem:s23], [sflag:$0x1] =	stream.indirect.gather [hbm4b:s1+s28], $0x40, s14, s28, $0xb8;
	[tilespmem:$0x1F220] =	vst v63  }
.Ltmp4:
0x8b: {  	_ = 	snop;
	(pc) =	sbr.rel .LBB2_6-.Ltmp4, $4  }
0x8c: {  	s22 =	simm.s32 $0x80  }
0x8d: {  	[tilespmem:s30], [sflag:$0x2] =	stream.indirect.gather [hbm4b:s1+s28], $0x40, s22, s28, $0xb8;
	[tilespmem:$0x1F220] =	vst v63  }
0x8e: {  	s25 =	simm.s32 $0x100;
	s15 =	simm.s32 $0x180  }
0x8f: {  	[tilespmem:s0], [sflag:$0x3] =	stream.indirect.gather [hbm4b:s1+s28], $0x40, s25, s28, $0xb8;
	[tilespmem:$0x1F220] =	vst v63  }
.LBB2_10:
0x90: {  	[spmem:s4] =	stream.indirect.scatter.add.f32 [tilespmem:s31], [sflag:$0x9], $0x10, s18, s28, $0xb8;
	[tilespmem:$0x1F220] =	vst v63  }
.LBB2_11:
0x91: {  	_ =	swait.ge [sflag:s2], $0x1F40  }
0x92: {  	[sflag:s2] =	ssyncset.done $0x0  }
0x93: {  	s18 =	sadd.s32 $0x5080, s16;
	p2 =	seq.s32 s14, $0x13800;
	[sflag:s2] =	ssyncadd.s32 $0xFFFFE0C0  }
0x94: {  	[spmem:s3] =	stream.indirect.scatter.add.f32 [tilespmem:s30], [sflag:$0x6], $0x40, s18, s28, $0xb8;
	[tilespmem:$0x1F220] =	vst v63  }
0x95: {  	p3 =	seq.s32 @!p0 s14, $0x0;
	s20 =	sshra.s32 @!p2 s14, $0x2;
	_ =	swait.ge [sflag:s7], $0x1F40  }
0x96: {  	s22 =	simm.s32 @!p2 $0x7D;
	s25 =	simm.s32 @!p2 $0xA000;
	[sflag:s7] =	ssyncset.done $0x0  }
0x97: {  	p3 =	por p3, p0;
	s21 =	sadd.s32 @!p2 $0x200, s20;
	[sflag:s7] =	ssyncadd.s32 $0xFFFFE0C0  }
0x98: {  	[tilespmem:s25], [sflag:$0x1] =	stream.indirect.gather @!p2 [hbm4b:s1+s22], $0x40, s21, s22, $0xb8;
	[tilespmem:$0x1F220] =	vst v63  }
0x99: {  	s21 =	simm.s32 @!p3 $0xA  }
0x9a: {  	_ =	swait.ge @!p3 [sflag:s21], $0x7D0  }
0x9b: {  	[sflag:s21] =	ssyncset.done @!p3 $0x0  }
0x9c: {  	s25 =	simm.s32 @!p0 $0x11D00;
	[sflag:s21] =	ssyncadd.s32 @!p3 $0xFFFFF830;
	s21 =	simm.s32 @!p0 $0x7D  }
0x9d: {  	[spmem:s4] =	stream.indirect.scatter.add.f32 @!p0 [tilespmem:s25], [sflag:$0xA], $0x10, s18, s21, $0xb8;
	[tilespmem:$0x1F220] =	vst v63  }
0x9e: {  	_ =	swait.ge [sflag:s8], $0x1F40  }
0x9f: {  	[sflag:s8] =	ssyncset.done $0x0  }
0xa0: {  	s18 =	sadd.s32 $0x5100, s16;
	[sflag:s8] =	ssyncadd.s32 $0xFFFFE0C0  }
0xa1: {  	[spmem:s3] =	stream.indirect.scatter.add.f32 [tilespmem:s0], [sflag:$0x7], $0x40, s18, s28, $0xb8;
	[tilespmem:$0x1F220] =	vst v63  }
0xa2: {  	_ =	swait.ge [sflag:s9], $0x1F40  }
0xa3: {  	[sflag:s9] =	ssyncset.done $0x0  }
0xa4: {  	s19 =	simm.s32 @!p2 $0xBF40;
	s16 =	sadd.s32 @!p2 $0x280, s20;
	[sflag:s9] =	ssyncadd.s32 $0xFFFFE0C0  }
0xa5: {  	[tilespmem:s19], [sflag:$0x2] =	stream.indirect.gather @!p2 [hbm4b:s1+s22], $0x40, s16, s22, $0xb8;
	[tilespmem:$0x1F220] =	vst v63  }
0xa6: {  	s16 =	simm.s32 @!p0 $0x9  }
0xa7: {  	_ =	swait.ge @!p0 [sflag:s16], $0x7D0  }
0xa8: {  	[sflag:s16] =	ssyncset.done @!p0 $0x0  }
0xa9: {  	[sflag:s16] =	ssyncadd.s32 @!p0 $0xFFFFF830  }
0xaa: {  	[spmem:s4] =	stream.indirect.scatter.add.f32 @!p0 [tilespmem:s25], [sflag:$0x9], $0x10, s18, s21, $0xb8;
	[tilespmem:$0x1F220] =	vst v63  }
0xab: {  	_ =	swait.ge [sflag:s10], $0x1F40  }
0xac: {  	[sflag:s10] =	ssyncset.done $0x0  }
0xad: {  	s18 =	sadd.s32 $0x5000, s17;
	[sflag:s10] =	ssyncadd.s32 $0xFFFFE0C0  }
0xae: {  	[spmem:s3] =	stream.indirect.scatter.add.f32 [tilespmem:s29], [sflag:$0x8], $0x40, s18, s28, $0xb8;
	[tilespmem:$0x1F220] =	vst v63  }
0xaf: {  	_ =	swait.ge [sflag:s11], $0x1F40  }
0xb0: {  	s14 =	sadd.s32 $0x800, s14;
	[sflag:s11] =	ssyncset.done $0x0  }
0xb1: {  	s19 =	simm.s32 @!p2 $0xDE80;
	s17 =	sadd.s32 @!p2 $0x300, s20;
	[sflag:s11] =	ssyncadd.s32 $0xFFFFE0C0  }
0xb2: {  	[tilespmem:s19], [sflag:$0x3] =	stream.indirect.gather @!p2 [hbm4b:s1+s22], $0x40, s17, s22, $0xb8;
	[tilespmem:$0x1F220] =	vst v63  }
0xb3: {  	p2 =	sne.s32 s14, $0x14000  }
.Ltmp5:
0xb4: {  	s17 =	simm.s32 @!p0 $0xA;
	(pc) =	sbr.rel @!p2 .LBB2_12-.Ltmp5, $4  }
0xb5: {  	_ =	swait.ge @!p0 [sflag:s17], $0x7D0  }
0xb6: {  	[sflag:s17] =	ssyncset.done @!p0 $0x0  }
0xb7: {  	s15 =	sadd.s32 $0x200, s15;
	[sflag:s17] =	ssyncadd.s32 @!p0 $0xFFFFF830  }
0xb8: {  	[spmem:s4] =	stream.indirect.scatter.add.f32 @!p0 [tilespmem:s25], [sflag:$0xA], $0x10, s18, s21, $0xb8;
	[tilespmem:$0x1F220] =	vst v63  }
.LBB2_6:
0xb9: {  	p2 =	sne.s32 s14, $0x0  }
.Ltmp6:
0xba: {  	_ = 	snop;
	(pc) =	sbr.rel @!p2 .LBB2_7-.Ltmp6, $4  }
0xbb: {  	_ =	swait.ge [sflag:s26], $0x1F40  }
0xbc: {  	s16 =	sshra.s32 s14, $0x2;
	[sflag:s26] =	ssyncset.done $0x0  }
0xbd: {  	s18 =	sadd.s32 $0x5000, s16;
	[sflag:s26] =	ssyncadd.s32 $0xFFFFE0C0  }
0xbe: {  	[spmem:s3] =	stream.indirect.scatter.add.f32 [tilespmem:s23], [sflag:$0x5], $0x40, s18, s28, $0xb8;
	[tilespmem:$0x1F220] =	vst v63  }
.Ltmp7:
0xbf: {  	_ =	swait.ge [sflag:s12], $0x1F40;
	(pc) =	sbr.rel @p0 .LBB2_11-.Ltmp7, $4  }
0xc0: {  	[sflag:s12] =	ssyncset.done $0x0  }
0xc1: {  	s17 =	sadd.s32 $0x180, s16;
	[sflag:s12] =	ssyncadd.s32 $0xFFFFE0C0  }
0xc2: {  	[tilespmem:s29], [sflag:$0x4] =	stream.indirect.gather [hbm4b:s1+s28], $0x40, s17, s28, $0xb8;
	[tilespmem:$0x1F220] =	vst v63  }
0xc3: {  	s17 =	smov.u32 s15  }
.Ltmp8:
0xc4: {  	(pc) =	sbr.rel .LBB2_10-.Ltmp8, $4  }
0xc5: {  	_ = 	snop  }
0xc6: {  	_ =	swait.ge [sflag:s13], $0x7D0  }
0xc7: {  	[sflag:s13] =	ssyncset.done $0x0  }
0xc8: {  	s17 =	smov.u32 s15;
	[sflag:s13] =	ssyncadd.s32 $0xFFFFF830  }
.LBB2_7:
.Ltmp9:
0xc9: {  	(pc) =	sbr.rel @p1 .LBB2_10-.Ltmp9, $4  }
.Ltmp10:
0xca: {  	(pc) =	sbr.rel @!p1 .LBB2_11-.Ltmp10, $4  }
0xcb: {  	_ = 	snop  }
0xcc: {  	s17 =	simm.s32 $0x180  }
0xcd: {  	[tilespmem:s29], [sflag:$0x4] =	stream.indirect.gather [hbm4b:s1+s28], $0x40, s17, s28, $0xb8;
	[tilespmem:$0x1F220] =	vst v63  }
0xce: {  	_ = 	snop  }
.LBB2_13:
0xcf: {  	_ =	sfence.sel $0x180000  }
0xd0: {  	[bflag:$0x0] =	sbarrier.arrive $0xFFFF  }
0xd1: {  	_ =	strace $0x90000047  }
0xd2: {  	[bflag:$0x2] =	sbarrier.arrive $0xFFFF  }
0xd3: {  	p0 =	sne.s32 s16, $0x0;
	s0 =	rddreg [dreg:$0x4]  }
0xd4: {  	s0 =	sadd.s32 @!p0 $0x100000, s0  }
0xd5: {  	[sflag:s0] =	ssyncadd.tile.s32 @!p0 $0x1;
	_ =	shalt  }
.Lfunc_end2:
_tile_overlayer_lowered:
.L_overlay_start_2:
0xd6: {  	(tag) =	ssettag $0x2  }
0xd7: {  	s0 =	rddreg [dreg:$0x0];
	s2 =	stileid.u32  }
0xd8: {  	s1 =	rddreg [dreg:$0x1];
	p0 =	sne.s32 s2, $0x0  }
0xd9: {  	s3 =	rddreg [dreg:$0x2];
	[bflag:$0x3] =	sbarrier.arrive $0xFFFF;
	s2 =	simm.s32 @!p0 $0x1C0B  }
0xda: {  	[timem:s3], [sflag:s2] =	dma.local @!p0 [hbm:s0], s1  }
0xdb: {  	s0 =	simm.s32 @!p0 $0xB  }
0xdc: {  	_ =	swait.ge @!p0 [sflag:s0], s1  }
0xdd: {  	s1 =	ssub.s32 @!p0 $0x0, s1;
	[sflag:s0] =	ssyncset.done @!p0 $0x0  }
0xde: {  	[sflag:s0] =	ssyncadd.s32 @!p0 s1  }
0xdf: {  	[bflag:$0x3] =	sbarrier.arrive $0xFFFF  }
0xe0: {  	_ =	shalt  }

</sc_bundles>
